<compile_context>
chip_gen: v7x
topology: tpu7x:2x2x1
jax: 0.10.2.dev20260603
libtpu: 0.0.44.dev20260713+nightly
codegen_flags: <defaults>
</compile_context>

<pallas_src>
import functools
import jax
import jax.numpy as jnp
from jax import lax
from jax.experimental import pallas as pl
from jax.experimental.pallas import tpu as pltpu
from jax.experimental.pallas import tpu_sc as plsc

NC = 2
NS = 16
NW = NC * NS
CH = 128
NB = 2


def _deg_body(nchunk, dst_hbm, zeros_hbm, rowid_hbm, out_hbm,
              idxs, rowid_v, hist, acc):
    cid = lax.axis_index("c")
    sid = lax.axis_index("s")
    wid = sid * NC + cid

    pltpu.sync_copy(zeros_hbm, hist)
    pltpu.sync_copy(rowid_hbm, rowid_v)
    pltpu.sync_copy(dst_hbm.at[pl.ds(wid * nchunk, nchunk)], idxs)

    @pl.when(sid == 0)
    def _():
        pltpu.sync_copy(zeros_hbm, acc)
    plsc.subcore_barrier()

    ones = jnp.ones((16,), jnp.float32)

    def chunk(k, carry):
        for j in range(CH // 16):
            iv = idxs[k, pl.ds(j * 16, 16)]
            plsc.addupdate_scatter(hist, [iv >> 7, iv & 127], ones)
        return carry

    lax.fori_loop(0, nchunk, chunk, 0)
    pltpu.sync_copy(hist, acc.at[rowid_v.at[0]], add=True)
    plsc.subcore_barrier()

    @pl.when(sid == 0)
    def _():
        pltpu.sync_copy(acc, out_hbm.at[cid])


def _agg_body(nchunk, rows_per_tile, y_hbm, ei_hbm, zeros_hbm,
              out_hbm, idxb, rows, isem, gsem, ssem, acc):
    cid = lax.axis_index("c")
    sid = lax.axis_index("s")
    wid = sid * NC + cid
    base = sid * rows_per_tile
    nblk = rows_per_tile // CH
    nrounds = nchunk // NB
    c0 = wid * nchunk

    pltpu.sync_copy(ei_hbm.at[pl.ds(c0, NB)], idxb.at[0])
    pltpu.async_copy(ei_hbm.at[pl.ds(c0 + NB, NB)], idxb.at[1], isem)
    zinit = [pltpu.async_copy(zeros_hbm.at[pl.ds(base + j * CH, CH)],
                              acc.at[pl.ds(base + j * CH, CH)], gsem)
             for j in range(nblk)]
    for z in zinit:
        z.wait()
    plsc.subcore_barrier()

    def step(t, carry):
        p = lax.rem(t, 4)
        gathers = []
        for b in range(NB):
            @pl.when(t > 0)
            def _():
                pltpu.make_async_copy(
                    rows.at[b], acc.at[idxb.at[0, 0, 1]], ssem).wait()
            gathers.append(pltpu.async_copy(
                y_hbm.at[idxb.at[p, b, 0]], rows.at[b], gsem))

        @pl.when(t + 2 < nrounds)
        def _():
            pltpu.async_copy(ei_hbm.at[pl.ds(c0 + (t + 2) * NB, NB)],
                             idxb.at[lax.rem(t + 2, 4)], isem)

        for b in range(NB):
            gathers[b].wait()
            pltpu.async_copy(rows.at[b], acc.at[idxb.at[p, b, 1]],
                             ssem, add=True)

        @pl.when(t + 1 < nrounds)
        def _():
            pltpu.make_async_copy(ei_hbm.at[pl.ds(c0, NB)], idxb.at[0],
                                  isem).wait()
        return carry

    lax.fori_loop(0, nrounds, step, 0)
    for b in range(NB):
        pltpu.make_async_copy(rows.at[b], acc.at[idxb.at[0, 0, 1]],
                              ssem).wait()
    plsc.subcore_barrier()
    wb = [pltpu.async_copy(acc.at[pl.ds(base + j * CH, CH)],
                           out_hbm.at[cid, pl.ds(base + j * CH, CH)], gsem)
          for j in range(nblk)]
    for w in wb:
        w.wait()


def _scale_body(feat_ref, degp_ref, y_ref, dinv_ref):
    deg = degp_ref[0] + degp_ref[1]
    dinv = lax.rsqrt(jnp.maximum(deg, 1.0))
    dinv_ref[...] = dinv
    y_ref[...] = feat_ref[...] * dinv


def _x1_body(part_ref, dinv_ref, x1_ref, y1_ref):
    dinv = dinv_ref[...]
    x1 = -(part_ref[0] + part_ref[1]) * dinv
    x1_ref[...] = x1
    y1_ref[...] = x1 * dinv


def _final_body(feat_ref, x1_ref, part_ref, dinv_ref, out_ref):
    x0 = feat_ref[...]
    x2 = -2.0 * (part_ref[0] + part_ref[1]) * dinv_ref[...] - x0
    zero = jnp.float32(0.0)
    out_ref[:, 0:128] = jnp.maximum(x0, zero)
    out_ref[:, 128:256] = jnp.maximum(x1_ref[...], zero)
    out_ref[:, 256:384] = jnp.maximum(x2, zero)


def kernel(feat, edge_index):
    n, d = feat.shape
    e = edge_index.shape[1]
    assert d == 128

    np_rows = ((n + NS * CH - 1) // (NS * CH)) * (NS * CH)
    rows_per_tile = np_rows // NS
    ew = ((e + NW * CH * NB - 1) // (NW * CH * NB)) * CH * NB
    ep = ew * NW
    nchunk = ew // CH

    src = edge_index[0]
    dst = edge_index[1]
    npad = ep - e
    pad_ids = jnp.arange(npad, dtype=jnp.int32)
    src_p = jnp.concatenate([src, (pad_ids * 997) % n]).reshape(ep // CH, CH)
    dst_p = jnp.concatenate([dst, n + pad_ids % (np_rows - n)]).reshape(
        ep // CH, CH)
    ei = jnp.stack([src_p, dst_p], axis=1)

    zeros_w = jnp.zeros((np_rows, d), jnp.float32)
    zeros80 = jnp.zeros((np_rows // CH, d), jnp.float32)
    rowids = jnp.arange(np_rows // CH, dtype=jnp.int32).reshape(1, -1)

    mesh = plsc.VectorSubcoreMesh(core_axis_name="c", subcore_axis_name="s")

    deg_k = pl.kernel(
        functools.partial(_deg_body, nchunk),
        out_type=jax.ShapeDtypeStruct((NC, np_rows // CH, d), jnp.float32),
        mesh=mesh,
        scratch_types=[
            pltpu.VMEM((nchunk, CH), jnp.int32),
            pltpu.VMEM((1, np_rows // CH), jnp.int32),
            pltpu.VMEM((np_rows // CH, d), jnp.float32),
            pltpu.VMEM_SHARED((np_rows // CH, d), jnp.float32),
        ],
        compiler_params=pltpu.CompilerParams(needs_layout_passes=False),
    )

    agg_k = pl.kernel(
        functools.partial(_agg_body, nchunk, rows_per_tile),
        out_type=jax.ShapeDtypeStruct((NC, np_rows, d), jnp.float32),
        mesh=mesh,
        scratch_types=[
            pltpu.VMEM((4, NB, 2, CH), jnp.int32),
            pltpu.VMEM((NB, CH, d), jnp.float32),
            pltpu.SemaphoreType.DMA,
            pltpu.SemaphoreType.DMA,
            pltpu.SemaphoreType.DMA,
            pltpu.VMEM_SHARED((np_rows, d), jnp.float32),
        ],
    )

    blk = 2000
    grid = (n // blk,)
    fspec = pl.BlockSpec((blk, d), lambda i: (i, 0))
    pspec = pl.BlockSpec((NC, blk, d), lambda i: (0, i, 0))
    dspec = pl.BlockSpec((NC, blk, 1), lambda i: (0, i, 0))
    vspec = pl.BlockSpec((blk, 1), lambda i: (i, 0))

    deg_part = deg_k(dst_p, zeros80, rowids).reshape(NC, np_rows, 1)

    y0, dinv_b = pl.pallas_call(
        _scale_body,
        grid=grid,
        in_specs=[fspec, dspec],
        out_specs=[fspec, vspec],
        out_shape=[jax.ShapeDtypeStruct((n, d), jnp.float32),
                   jax.ShapeDtypeStruct((n, 1), jnp.float32)],
    )(feat, deg_part)

    part0 = agg_k(y0, ei, zeros_w)

    x1, y1 = pl.pallas_call(
        _x1_body,
        grid=grid,
        in_specs=[pspec, vspec],
        out_specs=[fspec, fspec],
        out_shape=[jax.ShapeDtypeStruct((n, d), jnp.float32)] * 2,
    )(part0, dinv_b)

    part1 = agg_k(y1, ei, zeros_w)

    out = pl.pallas_call(
        _final_body,
        grid=grid,
        in_specs=[fspec, fspec, pspec, vspec],
        out_specs=pl.BlockSpec((blk, 3 * d), lambda i: (i, 0)),
        out_shape=jax.ShapeDtypeStruct((n, 3 * d), jnp.float32),
    )(feat, x1, part1, dinv_b)

    return out

# --- scband reference (transcript-rebuilt; emitter-appended) ---
"""Pipeline reference for scband-cheb-conv-62405874811912 (READ-ONLY COPY).

The authoritative reference and input builder live on the scoring server;
editing this copy changes nothing except your own understanding.
"""

import jax, jax.numpy as jnp
import numpy as np

N = 10000
E = 320000
D = 128
K = 3


def setup_inputs(seed: int = 0) -> dict:
    key = jax.random.key(seed)
    k1, k2 = jax.random.split(key)
    feat = jax.random.normal(k1, (N, D), dtype=jnp.float32)
    edge_index = jax.random.randint(k2, (2, E), 0, N, dtype=jnp.int32)
    return {"feat": feat, "edge_index": edge_index}


def reference(feat, edge_index):
    # ChebConv forward (DGL-style): K Chebyshev polynomial bases concatenated, then ReLU.
    src = edge_index[0]
    dst = edge_index[1]
    n = feat.shape[0]
    # in-degrees via scatter-add of ones over dst
    in_deg = jax.ops.segment_sum(jnp.ones(dst.shape[0], dtype=jnp.float32), dst, num_segments=n)
    D_invsqrt = jnp.power(jnp.clip(in_deg, 1.0, None), -0.5)[:, None]
    lambda_max = 2.0  # default when lambda_max is None
    re_norm = 2.0 / lambda_max

    def unnLaplacian(x):
        # Feat * D^-1/2 A D^-1/2 : gather src features, scatter-sum to dst
        h = x * D_invsqrt
        agg = jax.ops.segment_sum(h[src], dst, num_segments=n)
        return agg * D_invsqrt

    X0 = feat
    Xt = X0
    X1 = X0
    if K > 1:
        h = unnLaplacian(X0)
        X1 = -re_norm * h + X0 * (re_norm - 1.0)
        Xt = jnp.concatenate((Xt, X1), axis=1)
    for _ in range(2, K):
        h = unnLaplacian(X1)
        Xi = -2.0 * re_norm * h + X1 * 2.0 * (re_norm - 1.0) - X0
        Xt = jnp.concatenate((Xt, Xi), axis=1)
        X1, X0 = Xi, X1
    return jax.nn.relu(Xt)

if __name__ == "__main__":
    import jax
    _d = setup_inputs()
    print(jax.jit(kernel)(*tuple(_d.values())))

</pallas_src>

<mosaic_0001>
#map = affine_map<(d0, d1) -> (0, 0)>
#map1 = affine_map<(d0, d1) -> (0, 0, 0)>
module attributes {stable_mosaic.version = 14 : i64} {
  func.func @_agg_body(%arg0: i32, %arg1: i32, %arg2: memref<10000x128xf32, #tpu.memory_space<hbm>>, %arg3: memref<2560x2x128xi32, #tpu.memory_space<hbm>>, %arg4: memref<10240x128xf32, #tpu.memory_space<hbm>>, %arg5: memref<2x10240x128xf32, #tpu.memory_space<hbm>>, %arg6: memref<4x2x2x128xi32, #tpu.memory_space<vmem>>, %arg7: memref<2x128x128xf32, #tpu.memory_space<vmem>>, %arg8: memref<!tpu.dma_semaphore, #tpu.memory_space<semaphore_mem>>, %arg9: memref<!tpu.dma_semaphore, #tpu.memory_space<semaphore_mem>>, %arg10: memref<!tpu.dma_semaphore, #tpu.memory_space<semaphore_mem>>, %arg11: memref<10240x128xf32, #tpu.memory_space<vmem_shared>>) attributes {dimension_semantics = [#tpu.dimension_semantics<core_parallel>, #tpu.dimension_semantics<subcore_parallel>], iteration_bounds = array<i64: 2, 16>, scalar_prefetch = 0 : i64, scratch_operands = 6 : i64, tpu.core_type = #tpu.core_type<sc_vector_subcore>, window_params = [{transform_indices = #map}, {transform_indices = #map1}, {transform_indices = #map}, {transform_indices = #map1}]} {
    %mul3A = arith.constant 2 : i32
    %mul3A_0 = arith.muli %arg1, %mul3A : i32
    %add3A = arith.addi %mul3A_0, %arg0 : i32
    %mul3A_1 = arith.constant 640 : i32
    %mul3A_2 = arith.muli %arg1, %mul3A_1 : i32
    %mul3A_3 = arith.constant 80 : i32
    %mul3A_4 = arith.muli %add3A, %mul3A_3 : i32
    %run_scoped3A = arith.constant 0 : i32
    "tpu.region"() ({
      %run_scoped3A_186 = tpu.sem_alloc : memref<!tpu.dma_semaphore, #tpu.memory_space<semaphore_mem>>
      %dma_start3A_187 = arith.constant 0 : i32
      %dma_start3A_188 = arith.constant 0 : i32
      %dma_start3A_189 = arith.constant 0 : i32
      %dma_start3A_190 = tpu.memref_slice %arg6[%run_scoped3A, %dma_start3A_187, %dma_start3A_188, %dma_start3A_189] : memref<4x2x2x128xi32, #tpu.memory_space<vmem>> -> memref<1x2x2x128xi32, #tpu.memory_space<vmem>>
      %dma_start3A_191 = tpu.memref_squeeze %dma_start3A_190 : memref<1x2x2x128xi32, #tpu.memory_space<vmem>> -> memref<2x2x128xi32, #tpu.memory_space<vmem>>
      %dma_start3A_192 = arith.constant 0 : i32
      %dma_start3A_193 = arith.constant 0 : i32
      %dma_start3A_194 = tpu.memref_slice %arg3[%mul3A_4, %dma_start3A_192, %dma_start3A_193] : memref<2560x2x128xi32, #tpu.memory_space<hbm>> -> memref<2x2x128xi32, #tpu.memory_space<hbm>>
      %dma_start3A_195 = arith.constant 0 : i32
      %dma_start3A_196 = arith.constant 0 : i32
      %dma_start3A_197 = arith.constant 0 : i32
      %dma_start3A_198 = tpu.memref_slice %arg6[%run_scoped3A, %dma_start3A_195, %dma_start3A_196, %dma_start3A_197] : memref<4x2x2x128xi32, #tpu.memory_space<vmem>> -> memref<1x2x2x128xi32, #tpu.memory_space<vmem>>
      %dma_start3A_199 = tpu.memref_squeeze %dma_start3A_198 : memref<1x2x2x128xi32, #tpu.memory_space<vmem>> -> memref<2x2x128xi32, #tpu.memory_space<vmem>>
      %dma_start3A_200 = arith.constant 0 : i32
      %dma_start3A_201 = arith.constant 0 : i32
      %dma_start3A_202 = tpu.memref_slice %arg3[%mul3A_4, %dma_start3A_200, %dma_start3A_201] : memref<2560x2x128xi32, #tpu.memory_space<hbm>> -> memref<2x2x128xi32, #tpu.memory_space<hbm>>
      tpu.enqueue_dma source(%dma_start3A_202 : memref<2x2x128xi32, #tpu.memory_space<hbm>>) target(%dma_start3A_199 : memref<2x2x128xi32, #tpu.memory_space<vmem>>) target_semaphore(%run_scoped3A_186 : memref<!tpu.dma_semaphore, #tpu.memory_space<semaphore_mem>>)
      %dma_wait3A_203 = arith.constant 0 : i32
      %dma_wait3A_204 = arith.constant 0 : i32
      %dma_wait3A_205 = arith.constant 0 : i32
      %dma_wait3A_206 = tpu.memref_slice %arg6[%run_scoped3A, %dma_wait3A_203, %dma_wait3A_204, %dma_wait3A_205] : memref<4x2x2x128xi32, #tpu.memory_space<vmem>> -> memref<1x2x2x128xi32, #tpu.memory_space<vmem>>
      %dma_wait3A_207 = tpu.memref_squeeze %dma_wait3A_206 : memref<1x2x2x128xi32, #tpu.memory_space<vmem>> -> memref<2x2x128xi32, #tpu.memory_space<vmem>>
      %dma_wait3A_208 = arith.constant 0 : i32
      %dma_wait3A_209 = arith.constant 0 : i32
      %dma_wait3A_210 = tpu.memref_slice %arg3[%mul3A_4, %dma_wait3A_208, %dma_wait3A_209] : memref<2560x2x128xi32, #tpu.memory_space<hbm>> -> memref<2x2x128xi32, #tpu.memory_space<hbm>>
      %dma_wait3A_211 = arith.constant 0 : i32
      %dma_wait3A_212 = arith.constant 0 : i32
      %dma_wait3A_213 = arith.constant 0 : i32
      %dma_wait3A_214 = tpu.memref_slice %arg6[%run_scoped3A, %dma_wait3A_211, %dma_wait3A_212, %dma_wait3A_213] : memref<4x2x2x128xi32, #tpu.memory_space<vmem>> -> memref<1x2x2x128xi32, #tpu.memory_space<vmem>>
      %dma_wait3A_215 = tpu.memref_squeeze %dma_wait3A_214 : memref<1x2x2x128xi32, #tpu.memory_space<vmem>> -> memref<2x2x128xi32, #tpu.memory_space<vmem>>
      %dma_wait3A_216 = arith.constant 0 : i32
      %dma_wait3A_217 = arith.constant 0 : i32
      %dma_wait3A_218 = tpu.memref_slice %arg3[%mul3A_4, %dma_wait3A_216, %dma_wait3A_217] : memref<2560x2x128xi32, #tpu.memory_space<hbm>> -> memref<2x2x128xi32, #tpu.memory_space<hbm>>
      tpu.wait_dma2 semaphore(%run_scoped3A_186 : memref<!tpu.dma_semaphore, #tpu.memory_space<semaphore_mem>>) src(%dma_wait3A_218 : memref<2x2x128xi32, #tpu.memory_space<hbm>>) dst(%dma_wait3A_215 : memref<2x2x128xi32, #tpu.memory_space<vmem>>)
      tpu.yield
    }) : () -> ()
    %add3A_5 = arith.constant 2 : i32
    %add3A_6 = arith.addi %mul3A_4, %add3A_5 : i32
    %dma_start3A = arith.constant 1 : i32
    %dma_start3A_7 = arith.constant 0 : i32
    %dma_start3A_8 = arith.constant 0 : i32
    %dma_start3A_9 = arith.constant 0 : i32
    %dma_start3A_10 = tpu.memref_slice %arg6[%dma_start3A, %dma_start3A_7, %dma_start3A_8, %dma_start3A_9] : memref<4x2x2x128xi32, #tpu.memory_space<vmem>> -> memref<1x2x2x128xi32, #tpu.memory_space<vmem>>
    %dma_start3A_11 = tpu.memref_squeeze %dma_start3A_10 : memref<1x2x2x128xi32, #tpu.memory_space<vmem>> -> memref<2x2x128xi32, #tpu.memory_space<vmem>>
    %dma_start3A_12 = arith.constant 0 : i32
    %dma_start3A_13 = arith.constant 0 : i32
    %dma_start3A_14 = tpu.memref_slice %arg3[%add3A_6, %dma_start3A_12, %dma_start3A_13] : memref<2560x2x128xi32, #tpu.memory_space<hbm>> -> memref<2x2x128xi32, #tpu.memory_space<hbm>>
    %dma_start3A_15 = arith.constant 0 : i32
    %dma_start3A_16 = arith.constant 0 : i32
    %dma_start3A_17 = arith.constant 0 : i32
    %dma_start3A_18 = tpu.memref_slice %arg6[%dma_start3A, %dma_start3A_15, %dma_start3A_16, %dma_start3A_17] : memref<4x2x2x128xi32, #tpu.memory_space<vmem>> -> memref<1x2x2x128xi32, #tpu.memory_space<vmem>>
    %dma_start3A_19 = tpu.memref_squeeze %dma_start3A_18 : memref<1x2x2x128xi32, #tpu.memory_space<vmem>> -> memref<2x2x128xi32, #tpu.memory_space<vmem>>
    %dma_start3A_20 = arith.constant 0 : i32
    %dma_start3A_21 = arith.constant 0 : i32
    %dma_start3A_22 = tpu.memref_slice %arg3[%add3A_6, %dma_start3A_20, %dma_start3A_21] : memref<2560x2x128xi32, #tpu.memory_space<hbm>> -> memref<2x2x128xi32, #tpu.memory_space<hbm>>
    tpu.enqueue_dma source(%dma_start3A_22 : memref<2x2x128xi32, #tpu.memory_space<hbm>>) target(%dma_start3A_19 : memref<2x2x128xi32, #tpu.memory_space<vmem>>) target_semaphore(%arg8 : memref<!tpu.dma_semaphore, #tpu.memory_space<semaphore_mem>>)
    %add3A_23 = arith.constant 0 : i32
    %add3A_24 = arith.addi %mul3A_2, %add3A_23 : i32
    %add3A_25 = arith.constant 0 : i32
    %add3A_26 = arith.addi %mul3A_2, %add3A_25 : i32
    %dma_start3A_27 = arith.constant 0 : i32
    %dma_start3A_28 = tpu.memref_slice %arg11[%add3A_26, %dma_start3A_27] : memref<10240x128xf32, #tpu.memory_space<vmem_shared>> -> memref<128x128xf32, #tpu.memory_space<vmem_shared>>
    %dma_start3A_29 = arith.constant 0 : i32
    %dma_start3A_30 = tpu.memref_slice %arg4[%add3A_24, %dma_start3A_29] : memref<10240x128xf32, #tpu.memory_space<hbm>> -> memref<128x128xf32, #tpu.memory_space<hbm>>
    tpu.enqueue_dma source(%dma_start3A_30 : memref<128x128xf32, #tpu.memory_space<hbm>>) target(%dma_start3A_28 : memref<128x128xf32, #tpu.memory_space<vmem_shared>>) target_semaphore(%arg9 : memref<!tpu.dma_semaphore, #tpu.memory_space<semaphore_mem>>)
    %add3A_31 = arith.constant 128 : i32
    %add3A_32 = arith.addi %mul3A_2, %add3A_31 : i32
    %add3A_33 = arith.constant 128 : i32
    %add3A_34 = arith.addi %mul3A_2, %add3A_33 : i32
    %dma_start3A_35 = arith.constant 0 : i32
    %dma_start3A_36 = tpu.memref_slice %arg11[%add3A_34, %dma_start3A_35] : memref<10240x128xf32, #tpu.memory_space<vmem_shared>> -> memref<128x128xf32, #tpu.memory_space<vmem_shared>>
    %dma_start3A_37 = arith.constant 0 : i32
    %dma_start3A_38 = tpu.memref_slice %arg4[%add3A_32, %dma_start3A_37] : memref<10240x128xf32, #tpu.memory_space<hbm>> -> memref<128x128xf32, #tpu.memory_space<hbm>>
    tpu.enqueue_dma source(%dma_start3A_38 : memref<128x128xf32, #tpu.memory_space<hbm>>) target(%dma_start3A_36 : memref<128x128xf32, #tpu.memory_space<vmem_shared>>) target_semaphore(%arg9 : memref<!tpu.dma_semaphore, #tpu.memory_space<semaphore_mem>>)
    %add3A_39 = arith.constant 256 : i32
    %add3A_40 = arith.addi %mul3A_2, %add3A_39 : i32
    %add3A_41 = arith.constant 256 : i32
    %add3A_42 = arith.addi %mul3A_2, %add3A_41 : i32
    %dma_start3A_43 = arith.constant 0 : i32
    %dma_start3A_44 = tpu.memref_slice %arg11[%add3A_42, %dma_start3A_43] : memref<10240x128xf32, #tpu.memory_space<vmem_shared>> -> memref<128x128xf32, #tpu.memory_space<vmem_shared>>
    %dma_start3A_45 = arith.constant 0 : i32
    %dma_start3A_46 = tpu.memref_slice %arg4[%add3A_40, %dma_start3A_45] : memref<10240x128xf32, #tpu.memory_space<hbm>> -> memref<128x128xf32, #tpu.memory_space<hbm>>
    tpu.enqueue_dma source(%dma_start3A_46 : memref<128x128xf32, #tpu.memory_space<hbm>>) target(%dma_start3A_44 : memref<128x128xf32, #tpu.memory_space<vmem_shared>>) target_semaphore(%arg9 : memref<!tpu.dma_semaphore, #tpu.memory_space<semaphore_mem>>)
    %add3A_47 = arith.constant 384 : i32
    %add3A_48 = arith.addi %mul3A_2, %add3A_47 : i32
    %add3A_49 = arith.constant 384 : i32
    %add3A_50 = arith.addi %mul3A_2, %add3A_49 : i32
    %dma_start3A_51 = arith.constant 0 : i32
    %dma_start3A_52 = tpu.memref_slice %arg11[%add3A_50, %dma_start3A_51] : memref<10240x128xf32, #tpu.memory_space<vmem_shared>> -> memref<128x128xf32, #tpu.memory_space<vmem_shared>>
    %dma_start3A_53 = arith.constant 0 : i32
    %dma_start3A_54 = tpu.memref_slice %arg4[%add3A_48, %dma_start3A_53] : memref<10240x128xf32, #tpu.memory_space<hbm>> -> memref<128x128xf32, #tpu.memory_space<hbm>>
    tpu.enqueue_dma source(%dma_start3A_54 : memref<128x128xf32, #tpu.memory_space<hbm>>) target(%dma_start3A_52 : memref<128x128xf32, #tpu.memory_space<vmem_shared>>) target_semaphore(%arg9 : memref<!tpu.dma_semaphore, #tpu.memory_space<semaphore_mem>>)
    %add3A_55 = arith.constant 512 : i32
    %add3A_56 = arith.addi %mul3A_2, %add3A_55 : i32
    %add3A_57 = arith.constant 512 : i32
    %add3A_58 = arith.addi %mul3A_2, %add3A_57 : i32
    %dma_start3A_59 = arith.constant 0 : i32
    %dma_start3A_60 = tpu.memref_slice %arg11[%add3A_58, %dma_start3A_59] : memref<10240x128xf32, #tpu.memory_space<vmem_shared>> -> memref<128x128xf32, #tpu.memory_space<vmem_shared>>
    %dma_start3A_61 = arith.constant 0 : i32
    %dma_start3A_62 = tpu.memref_slice %arg4[%add3A_56, %dma_start3A_61] : memref<10240x128xf32, #tpu.memory_space<hbm>> -> memref<128x128xf32, #tpu.memory_space<hbm>>
    tpu.enqueue_dma source(%dma_start3A_62 : memref<128x128xf32, #tpu.memory_space<hbm>>) target(%dma_start3A_60 : memref<128x128xf32, #tpu.memory_space<vmem_shared>>) target_semaphore(%arg9 : memref<!tpu.dma_semaphore, #tpu.memory_space<semaphore_mem>>)
    %dma_wait3A = arith.constant 0 : i32
    %dma_wait3A_63 = tpu.memref_slice %arg11[%add3A_26, %dma_wait3A] : memref<10240x128xf32, #tpu.memory_space<vmem_shared>> -> memref<128x128xf32, #tpu.memory_space<vmem_shared>>
    %dma_wait3A_64 = arith.constant 0 : i32
    %dma_wait3A_65 = tpu.memref_slice %arg4[%add3A_24, %dma_wait3A_64] : memref<10240x128xf32, #tpu.memory_space<hbm>> -> memref<128x128xf32, #tpu.memory_space<hbm>>
    tpu.wait_dma2 semaphore(%arg9 : memref<!tpu.dma_semaphore, #tpu.memory_space<semaphore_mem>>) src(%dma_wait3A_65 : memref<128x128xf32, #tpu.memory_space<hbm>>) dst(%dma_wait3A_63 : memref<128x128xf32, #tpu.memory_space<vmem_shared>>)
    %dma_wait3A_66 = arith.constant 0 : i32
    %dma_wait3A_67 = tpu.memref_slice %arg11[%add3A_34, %dma_wait3A_66] : memref<10240x128xf32, #tpu.memory_space<vmem_shared>> -> memref<128x128xf32, #tpu.memory_space<vmem_shared>>
    %dma_wait3A_68 = arith.constant 0 : i32
    %dma_wait3A_69 = tpu.memref_slice %arg4[%add3A_32, %dma_wait3A_68] : memref<10240x128xf32, #tpu.memory_space<hbm>> -> memref<128x128xf32, #tpu.memory_space<hbm>>
    tpu.wait_dma2 semaphore(%arg9 : memref<!tpu.dma_semaphore, #tpu.memory_space<semaphore_mem>>) src(%dma_wait3A_69 : memref<128x128xf32, #tpu.memory_space<hbm>>) dst(%dma_wait3A_67 : memref<128x128xf32, #tpu.memory_space<vmem_shared>>)
    %dma_wait3A_70 = arith.constant 0 : i32
    %dma_wait3A_71 = tpu.memref_slice %arg11[%add3A_42, %dma_wait3A_70] : memref<10240x128xf32, #tpu.memory_space<vmem_shared>> -> memref<128x128xf32, #tpu.memory_space<vmem_shared>>
    %dma_wait3A_72 = arith.constant 0 : i32
    %dma_wait3A_73 = tpu.memref_slice %arg4[%add3A_40, %dma_wait3A_72] : memref<10240x128xf32, #tpu.memory_space<hbm>> -> memref<128x128xf32, #tpu.memory_space<hbm>>
    tpu.wait_dma2 semaphore(%arg9 : memref<!tpu.dma_semaphore, #tpu.memory_space<semaphore_mem>>) src(%dma_wait3A_73 : memref<128x128xf32, #tpu.memory_space<hbm>>) dst(%dma_wait3A_71 : memref<128x128xf32, #tpu.memory_space<vmem_shared>>)
    %dma_wait3A_74 = arith.constant 0 : i32
    %dma_wait3A_75 = tpu.memref_slice %arg11[%add3A_50, %dma_wait3A_74] : memref<10240x128xf32, #tpu.memory_space<vmem_shared>> -> memref<128x128xf32, #tpu.memory_space<vmem_shared>>
    %dma_wait3A_76 = arith.constant 0 : i32
    %dma_wait3A_77 = tpu.memref_slice %arg4[%add3A_48, %dma_wait3A_76] : memref<10240x128xf32, #tpu.memory_space<hbm>> -> memref<128x128xf32, #tpu.memory_space<hbm>>
    tpu.wait_dma2 semaphore(%arg9 : memref<!tpu.dma_semaphore, #tpu.memory_space<semaphore_mem>>) src(%dma_wait3A_77 : memref<128x128xf32, #tpu.memory_space<hbm>>) dst(%dma_wait3A_75 : memref<128x128xf32, #tpu.memory_space<vmem_shared>>)
    %dma_wait3A_78 = arith.constant 0 : i32
    %dma_wait3A_79 = tpu.memref_slice %arg11[%add3A_58, %dma_wait3A_78] : memref<10240x128xf32, #tpu.memory_space<vmem_shared>> -> memref<128x128xf32, #tpu.memory_space<vmem_shared>>
    %dma_wait3A_80 = arith.constant 0 : i32
    %dma_wait3A_81 = tpu.memref_slice %arg4[%add3A_56, %dma_wait3A_80] : memref<10240x128xf32, #tpu.memory_space<hbm>> -> memref<128x128xf32, #tpu.memory_space<hbm>>
    tpu.wait_dma2 semaphore(%arg9 : memref<!tpu.dma_semaphore, #tpu.memory_space<semaphore_mem>>) src(%dma_wait3A_81 : memref<128x128xf32, #tpu.memory_space<hbm>>) dst(%dma_wait3A_79 : memref<128x128xf32, #tpu.memory_space<vmem_shared>>)
    %barrier3A = arith.constant 0 : index
    tpu.barrier barrier_id(%barrier3A)
    %scan3A = arith.constant 0 : i32
    %scan3A_82 = arith.constant 0 : i32
    %scan3A_83 = arith.constant 40 : i32
    %scan3A_84 = arith.addi %scan3A_82, %scan3A_83 : i32
    %scan3A_85 = arith.constant 1 : i32
    scf.for %scan3A_186 = %scan3A_82 to %scan3A_84 step %scan3A_85  : i32 {
      %rem3A = arith.constant 4 : i32
      %rem3A_187 = arith.remsi %scan3A_186, %rem3A : i32
      %gt3A = arith.constant 0 : i32
      %gt3A_188 = arith.cmpi sgt, %scan3A_186, %gt3A : i32
      %convert_element_type3A = arith.extui %gt3A_188 : i1 to i32
      %cond3A = arith.constant 0 : i32
      %cond3A_189 = arith.cmpi ne, %convert_element_type3A, %cond3A : i32
      scf.if %cond3A_189 {
        %dma_wait3A_286 = arith.constant 0 : i32
        %dma_wait3A_287 = arith.constant 0 : i32
        %dma_wait3A_288 = arith.constant 0 : i32
        %dma_wait3A_289 = arith.constant 1 : i32
        %dma_wait3A_290 = arith.constant 0 : i32
        %dma_wait3A_291 = arith.constant 0 : i32
        %dma_wait3A_292 = tpu.memref_slice %arg7[%dma_wait3A_286, %dma_wait3A_290, %dma_wait3A_291] : memref<2x128x128xf32, #tpu.memory_space<vmem>> -> memref<1x128x128xf32, #tpu.memory_space<vmem>>
        %dma_wait3A_293 = tpu.memref_squeeze %dma_wait3A_292 : memref<1x128x128xf32, #tpu.memory_space<vmem>> -> memref<128x128xf32, #tpu.memory_space<vmem>>
        %dma_wait3A_294 = arith.constant 0 : i32
        %dma_wait3A_295 = tpu.memref_slice %arg6[%dma_wait3A_287, %dma_wait3A_288, %dma_wait3A_289, %dma_wait3A_294] : memref<4x2x2x128xi32, #tpu.memory_space<vmem>> -> memref<1x1x1x128xi32, #tpu.memory_space<vmem>>
        %dma_wait3A_296 = tpu.memref_squeeze %dma_wait3A_295 : memref<1x1x1x128xi32, #tpu.memory_space<vmem>> -> memref<128xi32, #tpu.memory_space<vmem>>
        %dma_wait3A_297 = arith.constant 0 : i32
        %dma_wait3A_298 = arith.constant 0 : i32
        %dma_wait3A_299 = tpu.memref_slice %arg11[%dma_wait3A_297, %dma_wait3A_298] : memref<10240x128xf32, #tpu.memory_space<vmem_shared>> -> memref<10240x128xf32, #tpu.memory_space<vmem_shared>>
        tpu.wait_indirect_dma semaphore(%arg10 : memref<!tpu.dma_semaphore, #tpu.memory_space<semaphore_mem>>) src(%dma_wait3A_293 : memref<128x128xf32, #tpu.memory_space<vmem>>) dst(%dma_wait3A_299 : memref<10240x128xf32, #tpu.memory_space<vmem_shared>>)
      } else {
      }
      %dma_start3A_190 = arith.constant 0 : i32
      %dma_start3A_191 = arith.constant 0 : i32
      %dma_start3A_192 = arith.constant 0 : i32
      %dma_start3A_193 = arith.constant 0 : i32
      %dma_start3A_194 = arith.constant 0 : i32
      %dma_start3A_195 = tpu.memref_slice %arg7[%dma_start3A_192, %dma_start3A_193, %dma_start3A_194] : memref<2x128x128xf32, #tpu.memory_space<vmem>> -> memref<1x128x128xf32, #tpu.memory_space<vmem>>
      %dma_start3A_196 = tpu.memref_squeeze %dma_start3A_195 : memref<1x128x128xf32, #tpu.memory_space<vmem>> -> memref<128x128xf32, #tpu.memory_space<vmem>>
      %dma_start3A_197 = arith.constant 0 : i32
      %dma_start3A_198 = tpu.memref_slice %arg6[%rem3A_187, %dma_start3A_190, %dma_start3A_191, %dma_start3A_197] : memref<4x2x2x128xi32, #tpu.memory_space<vmem>> -> memref<1x1x1x128xi32, #tpu.memory_space<vmem>>
      %dma_start3A_199 = tpu.memref_squeeze %dma_start3A_198 : memref<1x1x1x128xi32, #tpu.memory_space<vmem>> -> memref<128xi32, #tpu.memory_space<vmem>>
      %dma_start3A_200 = arith.constant 0 : i32
      %dma_start3A_201 = arith.constant 0 : i32
      %dma_start3A_202 = tpu.memref_slice %arg2[%dma_start3A_200, %dma_start3A_201] : memref<10000x128xf32, #tpu.memory_space<hbm>> -> memref<10000x128xf32, #tpu.memory_space<hbm>>
      tpu.enqueue_indirect_dma source(%dma_start3A_202 : memref<10000x128xf32, #tpu.memory_space<hbm>>) target(%dma_start3A_196 : memref<128x128xf32, #tpu.memory_space<vmem>>) offsets(%dma_start3A_199 : memref<128xi32, #tpu.memory_space<vmem>>) semaphore(%arg9 : memref<!tpu.dma_semaphore, #tpu.memory_space<semaphore_mem>>)
      %gt3A_203 = arith.constant 0 : i32
      %gt3A_204 = arith.cmpi sgt, %scan3A_186, %gt3A_203 : i32
      %convert_element_type3A_205 = arith.extui %gt3A_204 : i1 to i32
      %cond3A_206 = arith.constant 0 : i32
      %cond3A_207 = arith.cmpi ne, %convert_element_type3A_205, %cond3A_206 : i32
      scf.if %cond3A_207 {
        %dma_wait3A_286 = arith.constant 1 : i32
        %dma_wait3A_287 = arith.constant 0 : i32
        %dma_wait3A_288 = arith.constant 0 : i32
        %dma_wait3A_289 = arith.constant 1 : i32
        %dma_wait3A_290 = arith.constant 0 : i32
        %dma_wait3A_291 = arith.constant 0 : i32
        %dma_wait3A_292 = tpu.memref_slice %arg7[%dma_wait3A_286, %dma_wait3A_290, %dma_wait3A_291] : memref<2x128x128xf32, #tpu.memory_space<vmem>> -> memref<1x128x128xf32, #tpu.memory_space<vmem>>
        %dma_wait3A_293 = tpu.memref_squeeze %dma_wait3A_292 : memref<1x128x128xf32, #tpu.memory_space<vmem>> -> memref<128x128xf32, #tpu.memory_space<vmem>>
        %dma_wait3A_294 = arith.constant 0 : i32
        %dma_wait3A_295 = tpu.memref_slice %arg6[%dma_wait3A_287, %dma_wait3A_288, %dma_wait3A_289, %dma_wait3A_294] : memref<4x2x2x128xi32, #tpu.memory_space<vmem>> -> memref<1x1x1x128xi32, #tpu.memory_space<vmem>>
        %dma_wait3A_296 = tpu.memref_squeeze %dma_wait3A_295 : memref<1x1x1x128xi32, #tpu.memory_space<vmem>> -> memref<128xi32, #tpu.memory_space<vmem>>
        %dma_wait3A_297 = arith.constant 0 : i32
        %dma_wait3A_298 = arith.constant 0 : i32
        %dma_wait3A_299 = tpu.memref_slice %arg11[%dma_wait3A_297, %dma_wait3A_298] : memref<10240x128xf32, #tpu.memory_space<vmem_shared>> -> memref<10240x128xf32, #tpu.memory_space<vmem_shared>>
        tpu.wait_indirect_dma semaphore(%arg10 : memref<!tpu.dma_semaphore, #tpu.memory_space<semaphore_mem>>) src(%dma_wait3A_293 : memref<128x128xf32, #tpu.memory_space<vmem>>) dst(%dma_wait3A_299 : memref<10240x128xf32, #tpu.memory_space<vmem_shared>>)
      } else {
      }
      %dma_start3A_208 = arith.constant 1 : i32
      %dma_start3A_209 = arith.constant 0 : i32
      %dma_start3A_210 = arith.constant 1 : i32
      %dma_start3A_211 = arith.constant 0 : i32
      %dma_start3A_212 = arith.constant 0 : i32
      %dma_start3A_213 = tpu.memref_slice %arg7[%dma_start3A_210, %dma_start3A_211, %dma_start3A_212] : memref<2x128x128xf32, #tpu.memory_space<vmem>> -> memref<1x128x128xf32, #tpu.memory_space<vmem>>
      %dma_start3A_214 = tpu.memref_squeeze %dma_start3A_213 : memref<1x128x128xf32, #tpu.memory_space<vmem>> -> memref<128x128xf32, #tpu.memory_space<vmem>>
      %dma_start3A_215 = arith.constant 0 : i32
      %dma_start3A_216 = tpu.memref_slice %arg6[%rem3A_187, %dma_start3A_208, %dma_start3A_209, %dma_start3A_215] : memref<4x2x2x128xi32, #tpu.memory_space<vmem>> -> memref<1x1x1x128xi32, #tpu.memory_space<vmem>>
      %dma_start3A_217 = tpu.memref_squeeze %dma_start3A_216 : memref<1x1x1x128xi32, #tpu.memory_space<vmem>> -> memref<128xi32, #tpu.memory_space<vmem>>
      %dma_start3A_218 = arith.constant 0 : i32
      %dma_start3A_219 = arith.constant 0 : i32
      %dma_start3A_220 = tpu.memref_slice %arg2[%dma_start3A_218, %dma_start3A_219] : memref<10000x128xf32, #tpu.memory_space<hbm>> -> memref<10000x128xf32, #tpu.memory_space<hbm>>
      tpu.enqueue_indirect_dma source(%dma_start3A_220 : memref<10000x128xf32, #tpu.memory_space<hbm>>) target(%dma_start3A_214 : memref<128x128xf32, #tpu.memory_space<vmem>>) offsets(%dma_start3A_217 : memref<128xi32, #tpu.memory_space<vmem>>) semaphore(%arg9 : memref<!tpu.dma_semaphore, #tpu.memory_space<semaphore_mem>>)
      %add3A_221 = arith.constant 2 : i32
      %add3A_222 = arith.addi %scan3A_186, %add3A_221 : i32
      %lt3A = arith.constant 40 : i32
      %lt3A_223 = arith.cmpi slt, %add3A_222, %lt3A : i32
      %convert_element_type3A_224 = arith.extui %lt3A_223 : i1 to i32
      %cond3A_225 = arith.constant 0 : i32
      %cond3A_226 = arith.cmpi ne, %convert_element_type3A_224, %cond3A_225 : i32
      scf.if %cond3A_226 {
        %add3A_286 = arith.constant 2 : i32
        %add3A_287 = arith.addi %scan3A_186, %add3A_286 : i32
        %mul3A_288 = arith.constant 2 : i32
        %mul3A_289 = arith.muli %add3A_287, %mul3A_288 : i32
        %add3A_290 = arith.addi %mul3A_4, %mul3A_289 : i32
        %add3A_291 = arith.constant 2 : i32
        %add3A_292 = arith.addi %scan3A_186, %add3A_291 : i32
        %rem3A_293 = arith.constant 4 : i32
        %rem3A_294 = arith.remsi %add3A_292, %rem3A_293 : i32
        %dma_start3A_295 = arith.constant 0 : i32
        %dma_start3A_296 = arith.constant 0 : i32
        %dma_start3A_297 = arith.constant 0 : i32
        %dma_start3A_298 = tpu.memref_slice %arg6[%rem3A_294, %dma_start3A_295, %dma_start3A_296, %dma_start3A_297] : memref<4x2x2x128xi32, #tpu.memory_space<vmem>> -> memref<1x2x2x128xi32, #tpu.memory_space<vmem>>
        %dma_start3A_299 = tpu.memref_squeeze %dma_start3A_298 : memref<1x2x2x128xi32, #tpu.memory_space<vmem>> -> memref<2x2x128xi32, #tpu.memory_space<vmem>>
        %dma_start3A_300 = arith.constant 0 : i32
        %dma_start3A_301 = arith.constant 0 : i32
        %dma_start3A_302 = tpu.memref_slice %arg3[%add3A_290, %dma_start3A_300, %dma_start3A_301] : memref<2560x2x128xi32, #tpu.memory_space<hbm>> -> memref<2x2x128xi32, #tpu.memory_space<hbm>>
        %dma_start3A_303 = arith.constant 0 : i32
        %dma_start3A_304 = arith.constant 0 : i32
        %dma_start3A_305 = arith.constant 0 : i32
        %dma_start3A_306 = tpu.memref_slice %arg6[%rem3A_294, %dma_start3A_303, %dma_start3A_304, %dma_start3A_305] : memref<4x2x2x128xi32, #tpu.memory_space<vmem>> -> memref<1x2x2x128xi32, #tpu.memory_space<vmem>>
        %dma_start3A_307 = tpu.memref_squeeze %dma_start3A_306 : memref<1x2x2x128xi32, #tpu.memory_space<vmem>> -> memref<2x2x128xi32, #tpu.memory_space<vmem>>
        %dma_start3A_308 = arith.constant 0 : i32
        %dma_start3A_309 = arith.constant 0 : i32
        %dma_start3A_310 = tpu.memref_slice %arg3[%add3A_290, %dma_start3A_308, %dma_start3A_309] : memref<2560x2x128xi32, #tpu.memory_space<hbm>> -> memref<2x2x128xi32, #tpu.memory_space<hbm>>
        tpu.enqueue_dma source(%dma_start3A_310 : memref<2x2x128xi32, #tpu.memory_space<hbm>>) target(%dma_start3A_307 : memref<2x2x128xi32, #tpu.memory_space<vmem>>) target_semaphore(%arg8 : memref<!tpu.dma_semaphore, #tpu.memory_space<semaphore_mem>>)
      } else {
      }
      %dma_wait3A_227 = arith.constant 0 : i32
      %dma_wait3A_228 = arith.constant 0 : i32
      %dma_wait3A_229 = arith.constant 0 : i32
      %dma_wait3A_230 = arith.constant 0 : i32
      %dma_wait3A_231 = arith.constant 0 : i32
      %dma_wait3A_232 = tpu.memref_slice %arg7[%dma_wait3A_229, %dma_wait3A_230, %dma_wait3A_231] : memref<2x128x128xf32, #tpu.memory_space<vmem>> -> memref<1x128x128xf32, #tpu.memory_space<vmem>>
      %dma_wait3A_233 = tpu.memref_squeeze %dma_wait3A_232 : memref<1x128x128xf32, #tpu.memory_space<vmem>> -> memref<128x128xf32, #tpu.memory_space<vmem>>
      %dma_wait3A_234 = arith.constant 0 : i32
      %dma_wait3A_235 = tpu.memref_slice %arg6[%rem3A_187, %dma_wait3A_227, %dma_wait3A_228, %dma_wait3A_234] : memref<4x2x2x128xi32, #tpu.memory_space<vmem>> -> memref<1x1x1x128xi32, #tpu.memory_space<vmem>>
      %dma_wait3A_236 = tpu.memref_squeeze %dma_wait3A_235 : memref<1x1x1x128xi32, #tpu.memory_space<vmem>> -> memref<128xi32, #tpu.memory_space<vmem>>
      %dma_wait3A_237 = arith.constant 0 : i32
      %dma_wait3A_238 = arith.constant 0 : i32
      %dma_wait3A_239 = tpu.memref_slice %arg2[%dma_wait3A_237, %dma_wait3A_238] : memref<10000x128xf32, #tpu.memory_space<hbm>> -> memref<10000x128xf32, #tpu.memory_space<hbm>>
      tpu.wait_indirect_dma semaphore(%arg9 : memref<!tpu.dma_semaphore, #tpu.memory_space<semaphore_mem>>) src(%dma_wait3A_239 : memref<10000x128xf32, #tpu.memory_space<hbm>>) dst(%dma_wait3A_233 : memref<128x128xf32, #tpu.memory_space<vmem>>)
      %dma_start3A_240 = arith.constant 0 : i32
      %dma_start3A_241 = arith.constant 0 : i32
      %dma_start3A_242 = arith.constant 1 : i32
      %dma_start3A_243 = arith.constant 0 : i32
      %dma_start3A_244 = arith.constant 0 : i32
      %dma_start3A_245 = tpu.memref_slice %arg7[%dma_start3A_240, %dma_start3A_243, %dma_start3A_244] : memref<2x128x128xf32, #tpu.memory_space<vmem>> -> memref<1x128x128xf32, #tpu.memory_space<vmem>>
      %dma_start3A_246 = tpu.memref_squeeze %dma_start3A_245 : memref<1x128x128xf32, #tpu.memory_space<vmem>> -> memref<128x128xf32, #tpu.memory_space<vmem>>
      %dma_start3A_247 = arith.constant 0 : i32
      %dma_start3A_248 = tpu.memref_slice %arg6[%rem3A_187, %dma_start3A_241, %dma_start3A_242, %dma_start3A_247] : memref<4x2x2x128xi32, #tpu.memory_space<vmem>> -> memref<1x1x1x128xi32, #tpu.memory_space<vmem>>
      %dma_start3A_249 = tpu.memref_squeeze %dma_start3A_248 : memref<1x1x1x128xi32, #tpu.memory_space<vmem>> -> memref<128xi32, #tpu.memory_space<vmem>>
      %dma_start3A_250 = arith.constant 0 : i32
      %dma_start3A_251 = arith.constant 0 : i32
      %dma_start3A_252 = tpu.memref_slice %arg11[%dma_start3A_250, %dma_start3A_251] : memref<10240x128xf32, #tpu.memory_space<vmem_shared>> -> memref<10240x128xf32, #tpu.memory_space<vmem_shared>>
      tpu.enqueue_indirect_dma source(%dma_start3A_246 : memref<128x128xf32, #tpu.memory_space<vmem>>) target(%dma_start3A_252 : memref<10240x128xf32, #tpu.memory_space<vmem_shared>>) offsets(%dma_start3A_249 : memref<128xi32, #tpu.memory_space<vmem>>) semaphore(%arg10 : memref<!tpu.dma_semaphore, #tpu.memory_space<semaphore_mem>>) {add = true}
      %dma_wait3A_253 = arith.constant 1 : i32
      %dma_wait3A_254 = arith.constant 0 : i32
      %dma_wait3A_255 = arith.constant 1 : i32
      %dma_wait3A_256 = arith.constant 0 : i32
      %dma_wait3A_257 = arith.constant 0 : i32
      %dma_wait3A_258 = tpu.memref_slice %arg7[%dma_wait3A_255, %dma_wait3A_256, %dma_wait3A_257] : memref<2x128x128xf32, #tpu.memory_space<vmem>> -> memref<1x128x128xf32, #tpu.memory_space<vmem>>
      %dma_wait3A_259 = tpu.memref_squeeze %dma_wait3A_258 : memref<1x128x128xf32, #tpu.memory_space<vmem>> -> memref<128x128xf32, #tpu.memory_space<vmem>>
      %dma_wait3A_260 = arith.constant 0 : i32
      %dma_wait3A_261 = tpu.memref_slice %arg6[%rem3A_187, %dma_wait3A_253, %dma_wait3A_254, %dma_wait3A_260] : memref<4x2x2x128xi32, #tpu.memory_space<vmem>> -> memref<1x1x1x128xi32, #tpu.memory_space<vmem>>
      %dma_wait3A_262 = tpu.memref_squeeze %dma_wait3A_261 : memref<1x1x1x128xi32, #tpu.memory_space<vmem>> -> memref<128xi32, #tpu.memory_space<vmem>>
      %dma_wait3A_263 = arith.constant 0 : i32
      %dma_wait3A_264 = arith.constant 0 : i32
      %dma_wait3A_265 = tpu.memref_slice %arg2[%dma_wait3A_263, %dma_wait3A_264] : memref<10000x128xf32, #tpu.memory_space<hbm>> -> memref<10000x128xf32, #tpu.memory_space<hbm>>
      tpu.wait_indirect_dma semaphore(%arg9 : memref<!tpu.dma_semaphore, #tpu.memory_space<semaphore_mem>>) src(%dma_wait3A_265 : memref<10000x128xf32, #tpu.memory_space<hbm>>) dst(%dma_wait3A_259 : memref<128x128xf32, #tpu.memory_space<vmem>>)
      %dma_start3A_266 = arith.constant 1 : i32
      %dma_start3A_267 = arith.constant 1 : i32
      %dma_start3A_268 = arith.constant 1 : i32
      %dma_start3A_269 = arith.constant 0 : i32
      %dma_start3A_270 = arith.constant 0 : i32
      %dma_start3A_271 = tpu.memref_slice %arg7[%dma_start3A_266, %dma_start3A_269, %dma_start3A_270] : memref<2x128x128xf32, #tpu.memory_space<vmem>> -> memref<1x128x128xf32, #tpu.memory_space<vmem>>
      %dma_start3A_272 = tpu.memref_squeeze %dma_start3A_271 : memref<1x128x128xf32, #tpu.memory_space<vmem>> -> memref<128x128xf32, #tpu.memory_space<vmem>>
      %dma_start3A_273 = arith.constant 0 : i32
      %dma_start3A_274 = tpu.memref_slice %arg6[%rem3A_187, %dma_start3A_267, %dma_start3A_268, %dma_start3A_273] : memref<4x2x2x128xi32, #tpu.memory_space<vmem>> -> memref<1x1x1x128xi32, #tpu.memory_space<vmem>>
      %dma_start3A_275 = tpu.memref_squeeze %dma_start3A_274 : memref<1x1x1x128xi32, #tpu.memory_space<vmem>> -> memref<128xi32, #tpu.memory_space<vmem>>
      %dma_start3A_276 = arith.constant 0 : i32
      %dma_start3A_277 = arith.constant 0 : i32
      %dma_start3A_278 = tpu.memref_slice %arg11[%dma_start3A_276, %dma_start3A_277] : memref<10240x128xf32, #tpu.memory_space<vmem_shared>> -> memref<10240x128xf32, #tpu.memory_space<vmem_shared>>
      tpu.enqueue_indirect_dma source(%dma_start3A_272 : memref<128x128xf32, #tpu.memory_space<vmem>>) target(%dma_start3A_278 : memref<10240x128xf32, #tpu.memory_space<vmem_shared>>) offsets(%dma_start3A_275 : memref<128xi32, #tpu.memory_space<vmem>>) semaphore(%arg10 : memref<!tpu.dma_semaphore, #tpu.memory_space<semaphore_mem>>) {add = true}
      %add3A_279 = arith.constant 1 : i32
      %add3A_280 = arith.addi %scan3A_186, %add3A_279 : i32
      %lt3A_281 = arith.constant 40 : i32
      %lt3A_282 = arith.cmpi slt, %add3A_280, %lt3A_281 : i32
      %convert_element_type3A_283 = arith.extui %lt3A_282 : i1 to i32
      %cond3A_284 = arith.constant 0 : i32
      %cond3A_285 = arith.cmpi ne, %convert_element_type3A_283, %cond3A_284 : i32
      scf.if %cond3A_285 {
        %dma_wait3A_286 = arith.constant 0 : i32
        %dma_wait3A_287 = arith.constant 0 : i32
        %dma_wait3A_288 = arith.constant 0 : i32
        %dma_wait3A_289 = arith.constant 0 : i32
        %dma_wait3A_290 = tpu.memref_slice %arg6[%dma_wait3A_286, %dma_wait3A_287, %dma_wait3A_288, %dma_wait3A_289] : memref<4x2x2x128xi32, #tpu.memory_space<vmem>> -> memref<1x2x2x128xi32, #tpu.memory_space<vmem>>
        %dma_wait3A_291 = tpu.memref_squeeze %dma_wait3A_290 : memref<1x2x2x128xi32, #tpu.memory_space<vmem>> -> memref<2x2x128xi32, #tpu.memory_space<vmem>>
        %dma_wait3A_292 = arith.constant 0 : i32
        %dma_wait3A_293 = arith.constant 0 : i32
        %dma_wait3A_294 = tpu.memref_slice %arg3[%mul3A_4, %dma_wait3A_292, %dma_wait3A_293] : memref<2560x2x128xi32, #tpu.memory_space<hbm>> -> memref<2x2x128xi32, #tpu.memory_space<hbm>>
        %dma_wait3A_295 = arith.constant 0 : i32
        %dma_wait3A_296 = arith.constant 0 : i32
        %dma_wait3A_297 = arith.constant 0 : i32
        %dma_wait3A_298 = tpu.memref_slice %arg6[%dma_wait3A_286, %dma_wait3A_295, %dma_wait3A_296, %dma_wait3A_297] : memref<4x2x2x128xi32, #tpu.memory_space<vmem>> -> memref<1x2x2x128xi32, #tpu.memory_space<vmem>>
        %dma_wait3A_299 = tpu.memref_squeeze %dma_wait3A_298 : memref<1x2x2x128xi32, #tpu.memory_space<vmem>> -> memref<2x2x128xi32, #tpu.memory_space<vmem>>
        %dma_wait3A_300 = arith.constant 0 : i32
        %dma_wait3A_301 = arith.constant 0 : i32
        %dma_wait3A_302 = tpu.memref_slice %arg3[%mul3A_4, %dma_wait3A_300, %dma_wait3A_301] : memref<2560x2x128xi32, #tpu.memory_space<hbm>> -> memref<2x2x128xi32, #tpu.memory_space<hbm>>
        tpu.wait_dma2 semaphore(%arg8 : memref<!tpu.dma_semaphore, #tpu.memory_space<semaphore_mem>>) src(%dma_wait3A_302 : memref<2x2x128xi32, #tpu.memory_space<hbm>>) dst(%dma_wait3A_299 : memref<2x2x128xi32, #tpu.memory_space<vmem>>)
      } else {
      }
    }
    %scan3A_86 = arith.constant 40 : i32
    %dma_wait3A_87 = arith.constant 0 : i32
    %dma_wait3A_88 = arith.constant 0 : i32
    %dma_wait3A_89 = arith.constant 0 : i32
    %dma_wait3A_90 = arith.constant 1 : i32
    %dma_wait3A_91 = arith.constant 0 : i32
    %dma_wait3A_92 = arith.constant 0 : i32
    %dma_wait3A_93 = tpu.memref_slice %arg7[%dma_wait3A_87, %dma_wait3A_91, %dma_wait3A_92] : memref<2x128x128xf32, #tpu.memory_space<vmem>> -> memref<1x128x128xf32, #tpu.memory_space<vmem>>
    %dma_wait3A_94 = tpu.memref_squeeze %dma_wait3A_93 : memref<1x128x128xf32, #tpu.memory_space<vmem>> -> memref<128x128xf32, #tpu.memory_space<vmem>>
    %dma_wait3A_95 = arith.constant 0 : i32
    %dma_wait3A_96 = tpu.memref_slice %arg6[%dma_wait3A_88, %dma_wait3A_89, %dma_wait3A_90, %dma_wait3A_95] : memref<4x2x2x128xi32, #tpu.memory_space<vmem>> -> memref<1x1x1x128xi32, #tpu.memory_space<vmem>>
    %dma_wait3A_97 = tpu.memref_squeeze %dma_wait3A_96 : memref<1x1x1x128xi32, #tpu.memory_space<vmem>> -> memref<128xi32, #tpu.memory_space<vmem>>
    %dma_wait3A_98 = arith.constant 0 : i32
    %dma_wait3A_99 = arith.constant 0 : i32
    %dma_wait3A_100 = tpu.memref_slice %arg11[%dma_wait3A_98, %dma_wait3A_99] : memref<10240x128xf32, #tpu.memory_space<vmem_shared>> -> memref<10240x128xf32, #tpu.memory_space<vmem_shared>>
    tpu.wait_indirect_dma semaphore(%arg10 : memref<!tpu.dma_semaphore, #tpu.memory_space<semaphore_mem>>) src(%dma_wait3A_94 : memref<128x128xf32, #tpu.memory_space<vmem>>) dst(%dma_wait3A_100 : memref<10240x128xf32, #tpu.memory_space<vmem_shared>>)
    %dma_wait3A_101 = arith.constant 1 : i32
    %dma_wait3A_102 = arith.constant 0 : i32
    %dma_wait3A_103 = arith.constant 0 : i32
    %dma_wait3A_104 = arith.constant 1 : i32
    %dma_wait3A_105 = arith.constant 0 : i32
    %dma_wait3A_106 = arith.constant 0 : i32
    %dma_wait3A_107 = tpu.memref_slice %arg7[%dma_wait3A_101, %dma_wait3A_105, %dma_wait3A_106] : memref<2x128x128xf32, #tpu.memory_space<vmem>> -> memref<1x128x128xf32, #tpu.memory_space<vmem>>
    %dma_wait3A_108 = tpu.memref_squeeze %dma_wait3A_107 : memref<1x128x128xf32, #tpu.memory_space<vmem>> -> memref<128x128xf32, #tpu.memory_space<vmem>>
    %dma_wait3A_109 = arith.constant 0 : i32
    %dma_wait3A_110 = tpu.memref_slice %arg6[%dma_wait3A_102, %dma_wait3A_103, %dma_wait3A_104, %dma_wait3A_109] : memref<4x2x2x128xi32, #tpu.memory_space<vmem>> -> memref<1x1x1x128xi32, #tpu.memory_space<vmem>>
    %dma_wait3A_111 = tpu.memref_squeeze %dma_wait3A_110 : memref<1x1x1x128xi32, #tpu.memory_space<vmem>> -> memref<128xi32, #tpu.memory_space<vmem>>
    %dma_wait3A_112 = arith.constant 0 : i32
    %dma_wait3A_113 = arith.constant 0 : i32
    %dma_wait3A_114 = tpu.memref_slice %arg11[%dma_wait3A_112, %dma_wait3A_113] : memref<10240x128xf32, #tpu.memory_space<vmem_shared>> -> memref<10240x128xf32, #tpu.memory_space<vmem_shared>>
    tpu.wait_indirect_dma semaphore(%arg10 : memref<!tpu.dma_semaphore, #tpu.memory_space<semaphore_mem>>) src(%dma_wait3A_108 : memref<128x128xf32, #tpu.memory_space<vmem>>) dst(%dma_wait3A_114 : memref<10240x128xf32, #tpu.memory_space<vmem_shared>>)
    %barrier3A_115 = arith.constant 0 : index
    tpu.barrier barrier_id(%barrier3A_115)
    %add3A_116 = arith.constant 0 : i32
    %add3A_117 = arith.addi %mul3A_2, %add3A_116 : i32
    %add3A_118 = arith.constant 0 : i32
    %add3A_119 = arith.addi %mul3A_2, %add3A_118 : i32
    %dma_start3A_120 = arith.constant 0 : i32
    %dma_start3A_121 = tpu.memref_slice %arg5[%arg0, %add3A_119, %dma_start3A_120] : memref<2x10240x128xf32, #tpu.memory_space<hbm>> -> memref<1x128x128xf32, #tpu.memory_space<hbm>>
    %dma_start3A_122 = tpu.memref_squeeze %dma_start3A_121 : memref<1x128x128xf32, #tpu.memory_space<hbm>> -> memref<128x128xf32, #tpu.memory_space<hbm>>
    %dma_start3A_123 = arith.constant 0 : i32
    %dma_start3A_124 = tpu.memref_slice %arg11[%add3A_117, %dma_start3A_123] : memref<10240x128xf32, #tpu.memory_space<vmem_shared>> -> memref<128x128xf32, #tpu.memory_space<vmem_shared>>
    tpu.enqueue_dma source(%dma_start3A_124 : memref<128x128xf32, #tpu.memory_space<vmem_shared>>) target(%dma_start3A_122 : memref<128x128xf32, #tpu.memory_space<hbm>>) target_semaphore(%arg9 : memref<!tpu.dma_semaphore, #tpu.memory_space<semaphore_mem>>)
    %add3A_125 = arith.constant 128 : i32
    %add3A_126 = arith.addi %mul3A_2, %add3A_125 : i32
    %add3A_127 = arith.constant 128 : i32
    %add3A_128 = arith.addi %mul3A_2, %add3A_127 : i32
    %dma_start3A_129 = arith.constant 0 : i32
    %dma_start3A_130 = tpu.memref_slice %arg5[%arg0, %add3A_128, %dma_start3A_129] : memref<2x10240x128xf32, #tpu.memory_space<hbm>> -> memref<1x128x128xf32, #tpu.memory_space<hbm>>
    %dma_start3A_131 = tpu.memref_squeeze %dma_start3A_130 : memref<1x128x128xf32, #tpu.memory_space<hbm>> -> memref<128x128xf32, #tpu.memory_space<hbm>>
    %dma_start3A_132 = arith.constant 0 : i32
    %dma_start3A_133 = tpu.memref_slice %arg11[%add3A_126, %dma_start3A_132] : memref<10240x128xf32, #tpu.memory_space<vmem_shared>> -> memref<128x128xf32, #tpu.memory_space<vmem_shared>>
    tpu.enqueue_dma source(%dma_start3A_133 : memref<128x128xf32, #tpu.memory_space<vmem_shared>>) target(%dma_start3A_131 : memref<128x128xf32, #tpu.memory_space<hbm>>) target_semaphore(%arg9 : memref<!tpu.dma_semaphore, #tpu.memory_space<semaphore_mem>>)
    %add3A_134 = arith.constant 256 : i32
    %add3A_135 = arith.addi %mul3A_2, %add3A_134 : i32
    %add3A_136 = arith.constant 256 : i32
    %add3A_137 = arith.addi %mul3A_2, %add3A_136 : i32
    %dma_start3A_138 = arith.constant 0 : i32
    %dma_start3A_139 = tpu.memref_slice %arg5[%arg0, %add3A_137, %dma_start3A_138] : memref<2x10240x128xf32, #tpu.memory_space<hbm>> -> memref<1x128x128xf32, #tpu.memory_space<hbm>>
    %dma_start3A_140 = tpu.memref_squeeze %dma_start3A_139 : memref<1x128x128xf32, #tpu.memory_space<hbm>> -> memref<128x128xf32, #tpu.memory_space<hbm>>
    %dma_start3A_141 = arith.constant 0 : i32
    %dma_start3A_142 = tpu.memref_slice %arg11[%add3A_135, %dma_start3A_141] : memref<10240x128xf32, #tpu.memory_space<vmem_shared>> -> memref<128x128xf32, #tpu.memory_space<vmem_shared>>
    tpu.enqueue_dma source(%dma_start3A_142 : memref<128x128xf32, #tpu.memory_space<vmem_shared>>) target(%dma_start3A_140 : memref<128x128xf32, #tpu.memory_space<hbm>>) target_semaphore(%arg9 : memref<!tpu.dma_semaphore, #tpu.memory_space<semaphore_mem>>)
    %add3A_143 = arith.constant 384 : i32
    %add3A_144 = arith.addi %mul3A_2, %add3A_143 : i32
    %add3A_145 = arith.constant 384 : i32
    %add3A_146 = arith.addi %mul3A_2, %add3A_145 : i32
    %dma_start3A_147 = arith.constant 0 : i32
    %dma_start3A_148 = tpu.memref_slice %arg5[%arg0, %add3A_146, %dma_start3A_147] : memref<2x10240x128xf32, #tpu.memory_space<hbm>> -> memref<1x128x128xf32, #tpu.memory_space<hbm>>
    %dma_start3A_149 = tpu.memref_squeeze %dma_start3A_148 : memref<1x128x128xf32, #tpu.memory_space<hbm>> -> memref<128x128xf32, #tpu.memory_space<hbm>>
    %dma_start3A_150 = arith.constant 0 : i32
    %dma_start3A_151 = tpu.memref_slice %arg11[%add3A_144, %dma_start3A_150] : memref<10240x128xf32, #tpu.memory_space<vmem_shared>> -> memref<128x128xf32, #tpu.memory_space<vmem_shared>>
    tpu.enqueue_dma source(%dma_start3A_151 : memref<128x128xf32, #tpu.memory_space<vmem_shared>>) target(%dma_start3A_149 : memref<128x128xf32, #tpu.memory_space<hbm>>) target_semaphore(%arg9 : memref<!tpu.dma_semaphore, #tpu.memory_space<semaphore_mem>>)
    %add3A_152 = arith.constant 512 : i32
    %add3A_153 = arith.addi %mul3A_2, %add3A_152 : i32
    %add3A_154 = arith.constant 512 : i32
    %add3A_155 = arith.addi %mul3A_2, %add3A_154 : i32
    %dma_start3A_156 = arith.constant 0 : i32
    %dma_start3A_157 = tpu.memref_slice %arg5[%arg0, %add3A_155, %dma_start3A_156] : memref<2x10240x128xf32, #tpu.memory_space<hbm>> -> memref<1x128x128xf32, #tpu.memory_space<hbm>>
    %dma_start3A_158 = tpu.memref_squeeze %dma_start3A_157 : memref<1x128x128xf32, #tpu.memory_space<hbm>> -> memref<128x128xf32, #tpu.memory_space<hbm>>
    %dma_start3A_159 = arith.constant 0 : i32
    %dma_start3A_160 = tpu.memref_slice %arg11[%add3A_153, %dma_start3A_159] : memref<10240x128xf32, #tpu.memory_space<vmem_shared>> -> memref<128x128xf32, #tpu.memory_space<vmem_shared>>
    tpu.enqueue_dma source(%dma_start3A_160 : memref<128x128xf32, #tpu.memory_space<vmem_shared>>) target(%dma_start3A_158 : memref<128x128xf32, #tpu.memory_space<hbm>>) target_semaphore(%arg9 : memref<!tpu.dma_semaphore, #tpu.memory_space<semaphore_mem>>)
    %dma_wait3A_161 = arith.constant 0 : i32
    %dma_wait3A_162 = tpu.memref_slice %arg5[%arg0, %add3A_119, %dma_wait3A_161] : memref<2x10240x128xf32, #tpu.memory_space<hbm>> -> memref<1x128x128xf32, #tpu.memory_space<hbm>>
    %dma_wait3A_163 = tpu.memref_squeeze %dma_wait3A_162 : memref<1x128x128xf32, #tpu.memory_space<hbm>> -> memref<128x128xf32, #tpu.memory_space<hbm>>
    %dma_wait3A_164 = arith.constant 0 : i32
    %dma_wait3A_165 = tpu.memref_slice %arg11[%add3A_117, %dma_wait3A_164] : memref<10240x128xf32, #tpu.memory_space<vmem_shared>> -> memref<128x128xf32, #tpu.memory_space<vmem_shared>>
    tpu.wait_dma2 semaphore(%arg9 : memref<!tpu.dma_semaphore, #tpu.memory_space<semaphore_mem>>) src(%dma_wait3A_165 : memref<128x128xf32, #tpu.memory_space<vmem_shared>>) dst(%dma_wait3A_163 : memref<128x128xf32, #tpu.memory_space<hbm>>)
    %dma_wait3A_166 = arith.constant 0 : i32
    %dma_wait3A_167 = tpu.memref_slice %arg5[%arg0, %add3A_128, %dma_wait3A_166] : memref<2x10240x128xf32, #tpu.memory_space<hbm>> -> memref<1x128x128xf32, #tpu.memory_space<hbm>>
    %dma_wait3A_168 = tpu.memref_squeeze %dma_wait3A_167 : memref<1x128x128xf32, #tpu.memory_space<hbm>> -> memref<128x128xf32, #tpu.memory_space<hbm>>
    %dma_wait3A_169 = arith.constant 0 : i32
    %dma_wait3A_170 = tpu.memref_slice %arg11[%add3A_126, %dma_wait3A_169] : memref<10240x128xf32, #tpu.memory_space<vmem_shared>> -> memref<128x128xf32, #tpu.memory_space<vmem_shared>>
    tpu.wait_dma2 semaphore(%arg9 : memref<!tpu.dma_semaphore, #tpu.memory_space<semaphore_mem>>) src(%dma_wait3A_170 : memref<128x128xf32, #tpu.memory_space<vmem_shared>>) dst(%dma_wait3A_168 : memref<128x128xf32, #tpu.memory_space<hbm>>)
    %dma_wait3A_171 = arith.constant 0 : i32
    %dma_wait3A_172 = tpu.memref_slice %arg5[%arg0, %add3A_137, %dma_wait3A_171] : memref<2x10240x128xf32, #tpu.memory_space<hbm>> -> memref<1x128x128xf32, #tpu.memory_space<hbm>>
    %dma_wait3A_173 = tpu.memref_squeeze %dma_wait3A_172 : memref<1x128x128xf32, #tpu.memory_space<hbm>> -> memref<128x128xf32, #tpu.memory_space<hbm>>
    %dma_wait3A_174 = arith.constant 0 : i32
    %dma_wait3A_175 = tpu.memref_slice %arg11[%add3A_135, %dma_wait3A_174] : memref<10240x128xf32, #tpu.memory_space<vmem_shared>> -> memref<128x128xf32, #tpu.memory_space<vmem_shared>>
    tpu.wait_dma2 semaphore(%arg9 : memref<!tpu.dma_semaphore, #tpu.memory_space<semaphore_mem>>) src(%dma_wait3A_175 : memref<128x128xf32, #tpu.memory_space<vmem_shared>>) dst(%dma_wait3A_173 : memref<128x128xf32, #tpu.memory_space<hbm>>)
    %dma_wait3A_176 = arith.constant 0 : i32
    %dma_wait3A_177 = tpu.memref_slice %arg5[%arg0, %add3A_146, %dma_wait3A_176] : memref<2x10240x128xf32, #tpu.memory_space<hbm>> -> memref<1x128x128xf32, #tpu.memory_space<hbm>>
    %dma_wait3A_178 = tpu.memref_squeeze %dma_wait3A_177 : memref<1x128x128xf32, #tpu.memory_space<hbm>> -> memref<128x128xf32, #tpu.memory_space<hbm>>
    %dma_wait3A_179 = arith.constant 0 : i32
    %dma_wait3A_180 = tpu.memref_slice %arg11[%add3A_144, %dma_wait3A_179] : memref<10240x128xf32, #tpu.memory_space<vmem_shared>> -> memref<128x128xf32, #tpu.memory_space<vmem_shared>>
    tpu.wait_dma2 semaphore(%arg9 : memref<!tpu.dma_semaphore, #tpu.memory_space<semaphore_mem>>) src(%dma_wait3A_180 : memref<128x128xf32, #tpu.memory_space<vmem_shared>>) dst(%dma_wait3A_178 : memref<128x128xf32, #tpu.memory_space<hbm>>)
    %dma_wait3A_181 = arith.constant 0 : i32
    %dma_wait3A_182 = tpu.memref_slice %arg5[%arg0, %add3A_155, %dma_wait3A_181] : memref<2x10240x128xf32, #tpu.memory_space<hbm>> -> memref<1x128x128xf32, #tpu.memory_space<hbm>>
    %dma_wait3A_183 = tpu.memref_squeeze %dma_wait3A_182 : memref<1x128x128xf32, #tpu.memory_space<hbm>> -> memref<128x128xf32, #tpu.memory_space<hbm>>
    %dma_wait3A_184 = arith.constant 0 : i32
    %dma_wait3A_185 = tpu.memref_slice %arg11[%add3A_153, %dma_wait3A_184] : memref<10240x128xf32, #tpu.memory_space<vmem_shared>> -> memref<128x128xf32, #tpu.memory_space<vmem_shared>>
    tpu.wait_dma2 semaphore(%arg9 : memref<!tpu.dma_semaphore, #tpu.memory_space<semaphore_mem>>) src(%dma_wait3A_185 : memref<128x128xf32, #tpu.memory_space<vmem_shared>>) dst(%dma_wait3A_183 : memref<128x128xf32, #tpu.memory_space<hbm>>)
    return
  }
}

#map = affine_map<(d0, d1) -> (0, 0)>
#map1 = affine_map<(d0, d1) -> (0, 0, 0)>
module attributes {stable_mosaic.version = 14 : i64} {
  func.func @_deg_body(%arg0: i32, %arg1: i32, %arg2: memref<2560x128xi32, #tpu.memory_space<hbm>>, %arg3: memref<80x128xf32, #tpu.memory_space<hbm>>, %arg4: memref<1x80xi32, #tpu.memory_space<hbm>>, %arg5: memref<2x80x128xf32, #tpu.memory_space<hbm>>, %arg6: memref<80x128xi32, #tpu.memory_space<vmem>>, %arg7: memref<1x80xi32, #tpu.memory_space<vmem>>, %arg8: memref<80x128xf32, #tpu.memory_space<vmem>>, %arg9: memref<80x128xf32, #tpu.memory_space<vmem_shared>>) attributes {dimension_semantics = [#tpu.dimension_semantics<core_parallel>, #tpu.dimension_semantics<subcore_parallel>], iteration_bounds = array<i64: 2, 16>, scalar_prefetch = 0 : i64, scratch_operands = 4 : i64, tpu.core_type = #tpu.core_type<sc_vector_subcore>, window_params = [{transform_indices = #map}, {transform_indices = #map}, {transform_indices = #map}, {transform_indices = #map1}]} {
    %mul3A = arith.constant 2 : i32
    %mul3A_0 = arith.muli %arg1, %mul3A : i32
    %add3A = arith.addi %mul3A_0, %arg0 : i32
    "tpu.region"() ({
      %run_scoped3A_17 = tpu.sem_alloc : memref<!tpu.dma_semaphore, #tpu.memory_space<semaphore_mem>>
      tpu.enqueue_dma source(%arg3 : memref<80x128xf32, #tpu.memory_space<hbm>>) target(%arg8 : memref<80x128xf32, #tpu.memory_space<vmem>>) target_semaphore(%run_scoped3A_17 : memref<!tpu.dma_semaphore, #tpu.memory_space<semaphore_mem>>)
      tpu.wait_dma2 semaphore(%run_scoped3A_17 : memref<!tpu.dma_semaphore, #tpu.memory_space<semaphore_mem>>) src(%arg3 : memref<80x128xf32, #tpu.memory_space<hbm>>) dst(%arg8 : memref<80x128xf32, #tpu.memory_space<vmem>>)
      tpu.yield
    }) : () -> ()
    "tpu.region"() ({
      %run_scoped3A_17 = tpu.sem_alloc : memref<!tpu.dma_semaphore, #tpu.memory_space<semaphore_mem>>
      tpu.enqueue_dma source(%arg4 : memref<1x80xi32, #tpu.memory_space<hbm>>) target(%arg7 : memref<1x80xi32, #tpu.memory_space<vmem>>) target_semaphore(%run_scoped3A_17 : memref<!tpu.dma_semaphore, #tpu.memory_space<semaphore_mem>>)
      tpu.wait_dma2 semaphore(%run_scoped3A_17 : memref<!tpu.dma_semaphore, #tpu.memory_space<semaphore_mem>>) src(%arg4 : memref<1x80xi32, #tpu.memory_space<hbm>>) dst(%arg7 : memref<1x80xi32, #tpu.memory_space<vmem>>)
      tpu.yield
    }) : () -> ()
    %mul3A_1 = arith.constant 80 : i32
    %mul3A_2 = arith.muli %add3A, %mul3A_1 : i32
    "tpu.region"() ({
      %run_scoped3A_17 = tpu.sem_alloc : memref<!tpu.dma_semaphore, #tpu.memory_space<semaphore_mem>>
      %dma_start3A = arith.constant 0 : i32
      %dma_start3A_18 = tpu.memref_slice %arg2[%mul3A_2, %dma_start3A] : memref<2560x128xi32, #tpu.memory_space<hbm>> -> memref<80x128xi32, #tpu.memory_space<hbm>>
      %dma_start3A_19 = arith.constant 0 : i32
      %dma_start3A_20 = tpu.memref_slice %arg2[%mul3A_2, %dma_start3A_19] : memref<2560x128xi32, #tpu.memory_space<hbm>> -> memref<80x128xi32, #tpu.memory_space<hbm>>
      tpu.enqueue_dma source(%dma_start3A_20 : memref<80x128xi32, #tpu.memory_space<hbm>>) target(%arg6 : memref<80x128xi32, #tpu.memory_space<vmem>>) target_semaphore(%run_scoped3A_17 : memref<!tpu.dma_semaphore, #tpu.memory_space<semaphore_mem>>)
      %dma_wait3A = arith.constant 0 : i32
      %dma_wait3A_21 = tpu.memref_slice %arg2[%mul3A_2, %dma_wait3A] : memref<2560x128xi32, #tpu.memory_space<hbm>> -> memref<80x128xi32, #tpu.memory_space<hbm>>
      %dma_wait3A_22 = arith.constant 0 : i32
      %dma_wait3A_23 = tpu.memref_slice %arg2[%mul3A_2, %dma_wait3A_22] : memref<2560x128xi32, #tpu.memory_space<hbm>> -> memref<80x128xi32, #tpu.memory_space<hbm>>
      tpu.wait_dma2 semaphore(%run_scoped3A_17 : memref<!tpu.dma_semaphore, #tpu.memory_space<semaphore_mem>>) src(%dma_wait3A_23 : memref<80x128xi32, #tpu.memory_space<hbm>>) dst(%arg6 : memref<80x128xi32, #tpu.memory_space<vmem>>)
      tpu.yield
    }) : () -> ()
    %eq3A = arith.constant 0 : i32
    %eq3A_3 = arith.cmpi eq, %arg1, %eq3A : i32
    %convert_element_type3A = arith.extui %eq3A_3 : i1 to i32
    %cond3A = arith.constant 0 : i32
    %cond3A_4 = arith.cmpi ne, %convert_element_type3A, %cond3A : i32
    scf.if %cond3A_4 {
      "tpu.region"() ({
        %run_scoped3A_17 = tpu.sem_alloc : memref<!tpu.dma_semaphore, #tpu.memory_space<semaphore_mem>>
        tpu.enqueue_dma source(%arg3 : memref<80x128xf32, #tpu.memory_space<hbm>>) target(%arg9 : memref<80x128xf32, #tpu.memory_space<vmem_shared>>) target_semaphore(%run_scoped3A_17 : memref<!tpu.dma_semaphore, #tpu.memory_space<semaphore_mem>>)
        tpu.wait_dma2 semaphore(%run_scoped3A_17 : memref<!tpu.dma_semaphore, #tpu.memory_space<semaphore_mem>>) src(%arg3 : memref<80x128xf32, #tpu.memory_space<hbm>>) dst(%arg9 : memref<80x128xf32, #tpu.memory_space<vmem_shared>>)
        tpu.yield
      }) : () -> ()
    } else {
    }
    %barrier3A = arith.constant 0 : index
    tpu.barrier barrier_id(%barrier3A)
    %broadcast_in_dim3A = arith.constant 1.000000e+00 : f32
    %broadcast_in_dim3A_5 = vector.broadcast %broadcast_in_dim3A : f32 to vector<16xf32>
    %scan3A = arith.constant 0 : i32
    %scan3A_6 = arith.constant 0 : i32
    %scan3A_7 = arith.constant 80 : i32
    %scan3A_8 = arith.addi %scan3A_6, %scan3A_7 : i32
    %scan3A_9 = arith.constant 1 : i32
    scf.for %scan3A_17 = %scan3A_6 to %scan3A_8 step %scan3A_9  : i32 {
      %get3A = arith.index_cast %scan3A_17 : i32 to index
      %get3A_18 = arith.constant 0 : index
      %get3A_19 = tpu.vector_load %arg6[%get3A, %get3A_18] {strides = array<i32>} : memref<80x128xi32, #tpu.memory_space<vmem>>, vector<16xi32>,
      %shift_right_arithmetic3A = arith.constant 7 : i32
      %shift_right_arithmetic3A_20 = vector.broadcast %shift_right_arithmetic3A : i32 to vector<16xi32>
      %shift_right_arithmetic3A_21 = arith.shrsi %get3A_19, %shift_right_arithmetic3A_20 : vector<16xi32>
      %and3A = arith.constant 127 : i32
      %and3A_22 = vector.broadcast %and3A : i32 to vector<16xi32>
      %and3A_23 = arith.andi %get3A_19, %and3A_22 : vector<16xi32>
      tpu.vector_store_idx %arg8[%shift_right_arithmetic3A_21, %and3A_23], %broadcast_in_dim3A_5 {add = true} : memref<80x128xf32, #tpu.memory_space<vmem>>[vector<16xi32>, vector<16xi32>], vector<16xf32>,
      %get3A_24 = arith.index_cast %scan3A_17 : i32 to index
      %get3A_25 = arith.constant 16 : index
      %get3A_26 = tpu.vector_load %arg6[%get3A_24, %get3A_25] {strides = array<i32>} : memref<80x128xi32, #tpu.memory_space<vmem>>, vector<16xi32>,
      %shift_right_arithmetic3A_27 = arith.constant 7 : i32
      %shift_right_arithmetic3A_28 = vector.broadcast %shift_right_arithmetic3A_27 : i32 to vector<16xi32>
      %shift_right_arithmetic3A_29 = arith.shrsi %get3A_26, %shift_right_arithmetic3A_28 : vector<16xi32>
      %and3A_30 = arith.constant 127 : i32
      %and3A_31 = vector.broadcast %and3A_30 : i32 to vector<16xi32>
      %and3A_32 = arith.andi %get3A_26, %and3A_31 : vector<16xi32>
      tpu.vector_store_idx %arg8[%shift_right_arithmetic3A_29, %and3A_32], %broadcast_in_dim3A_5 {add = true} : memref<80x128xf32, #tpu.memory_space<vmem>>[vector<16xi32>, vector<16xi32>], vector<16xf32>,
      %get3A_33 = arith.index_cast %scan3A_17 : i32 to index
      %get3A_34 = arith.constant 32 : index
      %get3A_35 = tpu.vector_load %arg6[%get3A_33, %get3A_34] {strides = array<i32>} : memref<80x128xi32, #tpu.memory_space<vmem>>, vector<16xi32>,
      %shift_right_arithmetic3A_36 = arith.constant 7 : i32
      %shift_right_arithmetic3A_37 = vector.broadcast %shift_right_arithmetic3A_36 : i32 to vector<16xi32>
      %shift_right_arithmetic3A_38 = arith.shrsi %get3A_35, %shift_right_arithmetic3A_37 : vector<16xi32>
      %and3A_39 = arith.constant 127 : i32
      %and3A_40 = vector.broadcast %and3A_39 : i32 to vector<16xi32>
      %and3A_41 = arith.andi %get3A_35, %and3A_40 : vector<16xi32>
      tpu.vector_store_idx %arg8[%shift_right_arithmetic3A_38, %and3A_41], %broadcast_in_dim3A_5 {add = true} : memref<80x128xf32, #tpu.memory_space<vmem>>[vector<16xi32>, vector<16xi32>], vector<16xf32>,
      %get3A_42 = arith.index_cast %scan3A_17 : i32 to index
      %get3A_43 = arith.constant 48 : index
      %get3A_44 = tpu.vector_load %arg6[%get3A_42, %get3A_43] {strides = array<i32>} : memref<80x128xi32, #tpu.memory_space<vmem>>, vector<16xi32>,
      %shift_right_arithmetic3A_45 = arith.constant 7 : i32
      %shift_right_arithmetic3A_46 = vector.broadcast %shift_right_arithmetic3A_45 : i32 to vector<16xi32>
      %shift_right_arithmetic3A_47 = arith.shrsi %get3A_44, %shift_right_arithmetic3A_46 : vector<16xi32>
      %and3A_48 = arith.constant 127 : i32
      %and3A_49 = vector.broadcast %and3A_48 : i32 to vector<16xi32>
      %and3A_50 = arith.andi %get3A_44, %and3A_49 : vector<16xi32>
      tpu.vector_store_idx %arg8[%shift_right_arithmetic3A_47, %and3A_50], %broadcast_in_dim3A_5 {add = true} : memref<80x128xf32, #tpu.memory_space<vmem>>[vector<16xi32>, vector<16xi32>], vector<16xf32>,
      %get3A_51 = arith.index_cast %scan3A_17 : i32 to index
      %get3A_52 = arith.constant 64 : index
      %get3A_53 = tpu.vector_load %arg6[%get3A_51, %get3A_52] {strides = array<i32>} : memref<80x128xi32, #tpu.memory_space<vmem>>, vector<16xi32>,
      %shift_right_arithmetic3A_54 = arith.constant 7 : i32
      %shift_right_arithmetic3A_55 = vector.broadcast %shift_right_arithmetic3A_54 : i32 to vector<16xi32>
      %shift_right_arithmetic3A_56 = arith.shrsi %get3A_53, %shift_right_arithmetic3A_55 : vector<16xi32>
      %and3A_57 = arith.constant 127 : i32
      %and3A_58 = vector.broadcast %and3A_57 : i32 to vector<16xi32>
      %and3A_59 = arith.andi %get3A_53, %and3A_58 : vector<16xi32>
      tpu.vector_store_idx %arg8[%shift_right_arithmetic3A_56, %and3A_59], %broadcast_in_dim3A_5 {add = true} : memref<80x128xf32, #tpu.memory_space<vmem>>[vector<16xi32>, vector<16xi32>], vector<16xf32>,
      %get3A_60 = arith.index_cast %scan3A_17 : i32 to index
      %get3A_61 = arith.constant 80 : index
      %get3A_62 = tpu.vector_load %arg6[%get3A_60, %get3A_61] {strides = array<i32>} : memref<80x128xi32, #tpu.memory_space<vmem>>, vector<16xi32>,
      %shift_right_arithmetic3A_63 = arith.constant 7 : i32
      %shift_right_arithmetic3A_64 = vector.broadcast %shift_right_arithmetic3A_63 : i32 to vector<16xi32>
      %shift_right_arithmetic3A_65 = arith.shrsi %get3A_62, %shift_right_arithmetic3A_64 : vector<16xi32>
      %and3A_66 = arith.constant 127 : i32
      %and3A_67 = vector.broadcast %and3A_66 : i32 to vector<16xi32>
      %and3A_68 = arith.andi %get3A_62, %and3A_67 : vector<16xi32>
      tpu.vector_store_idx %arg8[%shift_right_arithmetic3A_65, %and3A_68], %broadcast_in_dim3A_5 {add = true} : memref<80x128xf32, #tpu.memory_space<vmem>>[vector<16xi32>, vector<16xi32>], vector<16xf32>,
      %get3A_69 = arith.index_cast %scan3A_17 : i32 to index
      %get3A_70 = arith.constant 96 : index
      %get3A_71 = tpu.vector_load %arg6[%get3A_69, %get3A_70] {strides = array<i32>} : memref<80x128xi32, #tpu.memory_space<vmem>>, vector<16xi32>,
      %shift_right_arithmetic3A_72 = arith.constant 7 : i32
      %shift_right_arithmetic3A_73 = vector.broadcast %shift_right_arithmetic3A_72 : i32 to vector<16xi32>
      %shift_right_arithmetic3A_74 = arith.shrsi %get3A_71, %shift_right_arithmetic3A_73 : vector<16xi32>
      %and3A_75 = arith.constant 127 : i32
      %and3A_76 = vector.broadcast %and3A_75 : i32 to vector<16xi32>
      %and3A_77 = arith.andi %get3A_71, %and3A_76 : vector<16xi32>
      tpu.vector_store_idx %arg8[%shift_right_arithmetic3A_74, %and3A_77], %broadcast_in_dim3A_5 {add = true} : memref<80x128xf32, #tpu.memory_space<vmem>>[vector<16xi32>, vector<16xi32>], vector<16xf32>,
      %get3A_78 = arith.index_cast %scan3A_17 : i32 to index
      %get3A_79 = arith.constant 112 : index
      %get3A_80 = tpu.vector_load %arg6[%get3A_78, %get3A_79] {strides = array<i32>} : memref<80x128xi32, #tpu.memory_space<vmem>>, vector<16xi32>,
      %shift_right_arithmetic3A_81 = arith.constant 7 : i32
      %shift_right_arithmetic3A_82 = vector.broadcast %shift_right_arithmetic3A_81 : i32 to vector<16xi32>
      %shift_right_arithmetic3A_83 = arith.shrsi %get3A_80, %shift_right_arithmetic3A_82 : vector<16xi32>
      %and3A_84 = arith.constant 127 : i32
      %and3A_85 = vector.broadcast %and3A_84 : i32 to vector<16xi32>
      %and3A_86 = arith.andi %get3A_80, %and3A_85 : vector<16xi32>
      tpu.vector_store_idx %arg8[%shift_right_arithmetic3A_83, %and3A_86], %broadcast_in_dim3A_5 {add = true} : memref<80x128xf32, #tpu.memory_space<vmem>>[vector<16xi32>, vector<16xi32>], vector<16xf32>,
    }
    %scan3A_10 = arith.constant 80 : i32
    %run_scoped3A = arith.constant 0 : i32
    "tpu.region"() ({
      %run_scoped3A_17 = tpu.sem_alloc : memref<!tpu.dma_semaphore, #tpu.memory_space<semaphore_mem>>
      %dma_start3A = arith.constant 0 : i32
      %dma_start3A_18 = tpu.memref_slice %arg7[%run_scoped3A, %dma_start3A] : memref<1x80xi32, #tpu.memory_space<vmem>> -> memref<1x80xi32, #tpu.memory_space<vmem>>
      %dma_start3A_19 = tpu.memref_squeeze %dma_start3A_18 : memref<1x80xi32, #tpu.memory_space<vmem>> -> memref<80xi32, #tpu.memory_space<vmem>>
      %dma_start3A_20 = arith.constant 0 : i32
      %dma_start3A_21 = arith.constant 0 : i32
      %dma_start3A_22 = tpu.memref_slice %arg9[%dma_start3A_20, %dma_start3A_21] : memref<80x128xf32, #tpu.memory_space<vmem_shared>> -> memref<80x128xf32, #tpu.memory_space<vmem_shared>>
      tpu.enqueue_indirect_dma source(%arg8 : memref<80x128xf32, #tpu.memory_space<vmem>>) target(%dma_start3A_22 : memref<80x128xf32, #tpu.memory_space<vmem_shared>>) offsets(%dma_start3A_19 : memref<80xi32, #tpu.memory_space<vmem>>) semaphore(%run_scoped3A_17 : memref<!tpu.dma_semaphore, #tpu.memory_space<semaphore_mem>>) {add = true}
      %dma_wait3A = arith.constant 0 : i32
      %dma_wait3A_23 = tpu.memref_slice %arg7[%run_scoped3A, %dma_wait3A] : memref<1x80xi32, #tpu.memory_space<vmem>> -> memref<1x80xi32, #tpu.memory_space<vmem>>
      %dma_wait3A_24 = tpu.memref_squeeze %dma_wait3A_23 : memref<1x80xi32, #tpu.memory_space<vmem>> -> memref<80xi32, #tpu.memory_space<vmem>>
      %dma_wait3A_25 = arith.constant 0 : i32
      %dma_wait3A_26 = arith.constant 0 : i32
      %dma_wait3A_27 = tpu.memref_slice %arg9[%dma_wait3A_25, %dma_wait3A_26] : memref<80x128xf32, #tpu.memory_space<vmem_shared>> -> memref<80x128xf32, #tpu.memory_space<vmem_shared>>
      tpu.wait_indirect_dma semaphore(%run_scoped3A_17 : memref<!tpu.dma_semaphore, #tpu.memory_space<semaphore_mem>>) src(%arg8 : memref<80x128xf32, #tpu.memory_space<vmem>>) dst(%dma_wait3A_27 : memref<80x128xf32, #tpu.memory_space<vmem_shared>>)
      tpu.yield
    }) : () -> ()
    %barrier3A_11 = arith.constant 0 : index
    tpu.barrier barrier_id(%barrier3A_11)
    %eq3A_12 = arith.constant 0 : i32
    %eq3A_13 = arith.cmpi eq, %arg1, %eq3A_12 : i32
    %convert_element_type3A_14 = arith.extui %eq3A_13 : i1 to i32
    %cond3A_15 = arith.constant 0 : i32
    %cond3A_16 = arith.cmpi ne, %convert_element_type3A_14, %cond3A_15 : i32
    scf.if %cond3A_16 {
      "tpu.region"() ({
        %run_scoped3A_17 = tpu.sem_alloc : memref<!tpu.dma_semaphore, #tpu.memory_space<semaphore_mem>>
        %dma_start3A = arith.constant 0 : i32
        %dma_start3A_18 = arith.constant 0 : i32
        %dma_start3A_19 = tpu.memref_slice %arg5[%arg0, %dma_start3A, %dma_start3A_18] : memref<2x80x128xf32, #tpu.memory_space<hbm>> -> memref<1x80x128xf32, #tpu.memory_space<hbm>>
        %dma_start3A_20 = tpu.memref_squeeze %dma_start3A_19 : memref<1x80x128xf32, #tpu.memory_space<hbm>> -> memref<80x128xf32, #tpu.memory_space<hbm>>
        tpu.enqueue_dma source(%arg9 : memref<80x128xf32, #tpu.memory_space<vmem_shared>>) target(%dma_start3A_20 : memref<80x128xf32, #tpu.memory_space<hbm>>) target_semaphore(%run_scoped3A_17 : memref<!tpu.dma_semaphore, #tpu.memory_space<semaphore_mem>>)
        %dma_wait3A = arith.constant 0 : i32
        %dma_wait3A_21 = arith.constant 0 : i32
        %dma_wait3A_22 = tpu.memref_slice %arg5[%arg0, %dma_wait3A, %dma_wait3A_21] : memref<2x80x128xf32, #tpu.memory_space<hbm>> -> memref<1x80x128xf32, #tpu.memory_space<hbm>>
        %dma_wait3A_23 = tpu.memref_squeeze %dma_wait3A_22 : memref<1x80x128xf32, #tpu.memory_space<hbm>> -> memref<80x128xf32, #tpu.memory_space<hbm>>
        tpu.wait_dma2 semaphore(%run_scoped3A_17 : memref<!tpu.dma_semaphore, #tpu.memory_space<semaphore_mem>>) src(%arg9 : memref<80x128xf32, #tpu.memory_space<vmem_shared>>) dst(%dma_wait3A_23 : memref<80x128xf32, #tpu.memory_space<hbm>>)
        tpu.yield
      }) : () -> ()
    } else {
    }
    return
  }
}

#map = affine_map<(d0, d1) -> (0, 0)>
#map1 = affine_map<(d0, d1) -> (0, 0, 0)>
module attributes {stable_mosaic.version = 14 : i64} {
  func.func @_agg_body(%arg0: i32, %arg1: i32, %arg2: memref<10000x128xf32, #tpu.memory_space<hbm>>, %arg3: memref<2560x2x128xi32, #tpu.memory_space<hbm>>, %arg4: memref<10240x128xf32, #tpu.memory_space<hbm>>, %arg5: memref<2x10240x128xf32, #tpu.memory_space<hbm>>, %arg6: memref<4x2x2x128xi32, #tpu.memory_space<vmem>>, %arg7: memref<2x128x128xf32, #tpu.memory_space<vmem>>, %arg8: memref<!tpu.dma_semaphore, #tpu.memory_space<semaphore_mem>>, %arg9: memref<!tpu.dma_semaphore, #tpu.memory_space<semaphore_mem>>, %arg10: memref<!tpu.dma_semaphore, #tpu.memory_space<semaphore_mem>>, %arg11: memref<10240x128xf32, #tpu.memory_space<vmem_shared>>) attributes {dimension_semantics = [#tpu.dimension_semantics<core_parallel>, #tpu.dimension_semantics<subcore_parallel>], iteration_bounds = array<i64: 2, 16>, scalar_prefetch = 0 : i64, scratch_operands = 6 : i64, tpu.core_type = #tpu.core_type<sc_vector_subcore>, window_params = [{transform_indices = #map}, {transform_indices = #map1}, {transform_indices = #map}, {transform_indices = #map1}]} {
    %mul3A = arith.constant 2 : i32
    %mul3A_0 = arith.muli %arg1, %mul3A : i32
    %add3A = arith.addi %mul3A_0, %arg0 : i32
    %mul3A_1 = arith.constant 640 : i32
    %mul3A_2 = arith.muli %arg1, %mul3A_1 : i32
    %mul3A_3 = arith.constant 80 : i32
    %mul3A_4 = arith.muli %add3A, %mul3A_3 : i32
    %run_scoped3A = arith.constant 0 : i32
    "tpu.region"() ({
      %run_scoped3A_186 = tpu.sem_alloc : memref<!tpu.dma_semaphore, #tpu.memory_space<semaphore_mem>>
      %dma_start3A_187 = arith.constant 0 : i32
      %dma_start3A_188 = arith.constant 0 : i32
      %dma_start3A_189 = arith.constant 0 : i32
      %dma_start3A_190 = tpu.memref_slice %arg6[%run_scoped3A, %dma_start3A_187, %dma_start3A_188, %dma_start3A_189] : memref<4x2x2x128xi32, #tpu.memory_space<vmem>> -> memref<1x2x2x128xi32, #tpu.memory_space<vmem>>
      %dma_start3A_191 = tpu.memref_squeeze %dma_start3A_190 : memref<1x2x2x128xi32, #tpu.memory_space<vmem>> -> memref<2x2x128xi32, #tpu.memory_space<vmem>>
      %dma_start3A_192 = arith.constant 0 : i32
      %dma_start3A_193 = arith.constant 0 : i32
      %dma_start3A_194 = tpu.memref_slice %arg3[%mul3A_4, %dma_start3A_192, %dma_start3A_193] : memref<2560x2x128xi32, #tpu.memory_space<hbm>> -> memref<2x2x128xi32, #tpu.memory_space<hbm>>
      %dma_start3A_195 = arith.constant 0 : i32
      %dma_start3A_196 = arith.constant 0 : i32
      %dma_start3A_197 = arith.constant 0 : i32
      %dma_start3A_198 = tpu.memref_slice %arg6[%run_scoped3A, %dma_start3A_195, %dma_start3A_196, %dma_start3A_197] : memref<4x2x2x128xi32, #tpu.memory_space<vmem>> -> memref<1x2x2x128xi32, #tpu.memory_space<vmem>>
      %dma_start3A_199 = tpu.memref_squeeze %dma_start3A_198 : memref<1x2x2x128xi32, #tpu.memory_space<vmem>> -> memref<2x2x128xi32, #tpu.memory_space<vmem>>
      %dma_start3A_200 = arith.constant 0 : i32
      %dma_start3A_201 = arith.constant 0 : i32
      %dma_start3A_202 = tpu.memref_slice %arg3[%mul3A_4, %dma_start3A_200, %dma_start3A_201] : memref<2560x2x128xi32, #tpu.memory_space<hbm>> -> memref<2x2x128xi32, #tpu.memory_space<hbm>>
      tpu.enqueue_dma source(%dma_start3A_202 : memref<2x2x128xi32, #tpu.memory_space<hbm>>) target(%dma_start3A_199 : memref<2x2x128xi32, #tpu.memory_space<vmem>>) target_semaphore(%run_scoped3A_186 : memref<!tpu.dma_semaphore, #tpu.memory_space<semaphore_mem>>)
      %dma_wait3A_203 = arith.constant 0 : i32
      %dma_wait3A_204 = arith.constant 0 : i32
      %dma_wait3A_205 = arith.constant 0 : i32
      %dma_wait3A_206 = tpu.memref_slice %arg6[%run_scoped3A, %dma_wait3A_203, %dma_wait3A_204, %dma_wait3A_205] : memref<4x2x2x128xi32, #tpu.memory_space<vmem>> -> memref<1x2x2x128xi32, #tpu.memory_space<vmem>>
      %dma_wait3A_207 = tpu.memref_squeeze %dma_wait3A_206 : memref<1x2x2x128xi32, #tpu.memory_space<vmem>> -> memref<2x2x128xi32, #tpu.memory_space<vmem>>
      %dma_wait3A_208 = arith.constant 0 : i32
      %dma_wait3A_209 = arith.constant 0 : i32
      %dma_wait3A_210 = tpu.memref_slice %arg3[%mul3A_4, %dma_wait3A_208, %dma_wait3A_209] : memref<2560x2x128xi32, #tpu.memory_space<hbm>> -> memref<2x2x128xi32, #tpu.memory_space<hbm>>
      %dma_wait3A_211 = arith.constant 0 : i32
      %dma_wait3A_212 = arith.constant 0 : i32
      %dma_wait3A_213 = arith.constant 0 : i32
      %dma_wait3A_214 = tpu.memref_slice %arg6[%run_scoped3A, %dma_wait3A_211, %dma_wait3A_212, %dma_wait3A_213] : memref<4x2x2x128xi32, #tpu.memory_space<vmem>> -> memref<1x2x2x128xi32, #tpu.memory_space<vmem>>
      %dma_wait3A_215 = tpu.memref_squeeze %dma_wait3A_214 : memref<1x2x2x128xi32, #tpu.memory_space<vmem>> -> memref<2x2x128xi32, #tpu.memory_space<vmem>>
      %dma_wait3A_216 = arith.constant 0 : i32
      %dma_wait3A_217 = arith.constant 0 : i32
      %dma_wait3A_218 = tpu.memref_slice %arg3[%mul3A_4, %dma_wait3A_216, %dma_wait3A_217] : memref<2560x2x128xi32, #tpu.memory_space<hbm>> -> memref<2x2x128xi32, #tpu.memory_space<hbm>>
      tpu.wait_dma2 semaphore(%run_scoped3A_186 : memref<!tpu.dma_semaphore, #tpu.memory_space<semaphore_mem>>) src(%dma_wait3A_218 : memref<2x2x128xi32, #tpu.memory_space<hbm>>) dst(%dma_wait3A_215 : memref<2x2x128xi32, #tpu.memory_space<vmem>>)
      tpu.yield
    }) : () -> ()
    %add3A_5 = arith.constant 2 : i32
    %add3A_6 = arith.addi %mul3A_4, %add3A_5 : i32
    %dma_start3A = arith.constant 1 : i32
    %dma_start3A_7 = arith.constant 0 : i32
    %dma_start3A_8 = arith.constant 0 : i32
    %dma_start3A_9 = arith.constant 0 : i32
    %dma_start3A_10 = tpu.memref_slice %arg6[%dma_start3A, %dma_start3A_7, %dma_start3A_8, %dma_start3A_9] : memref<4x2x2x128xi32, #tpu.memory_space<vmem>> -> memref<1x2x2x128xi32, #tpu.memory_space<vmem>>
    %dma_start3A_11 = tpu.memref_squeeze %dma_start3A_10 : memref<1x2x2x128xi32, #tpu.memory_space<vmem>> -> memref<2x2x128xi32, #tpu.memory_space<vmem>>
    %dma_start3A_12 = arith.constant 0 : i32
    %dma_start3A_13 = arith.constant 0 : i32
    %dma_start3A_14 = tpu.memref_slice %arg3[%add3A_6, %dma_start3A_12, %dma_start3A_13] : memref<2560x2x128xi32, #tpu.memory_space<hbm>> -> memref<2x2x128xi32, #tpu.memory_space<hbm>>
    %dma_start3A_15 = arith.constant 0 : i32
    %dma_start3A_16 = arith.constant 0 : i32
    %dma_start3A_17 = arith.constant 0 : i32
    %dma_start3A_18 = tpu.memref_slice %arg6[%dma_start3A, %dma_start3A_15, %dma_start3A_16, %dma_start3A_17] : memref<4x2x2x128xi32, #tpu.memory_space<vmem>> -> memref<1x2x2x128xi32, #tpu.memory_space<vmem>>
    %dma_start3A_19 = tpu.memref_squeeze %dma_start3A_18 : memref<1x2x2x128xi32, #tpu.memory_space<vmem>> -> memref<2x2x128xi32, #tpu.memory_space<vmem>>
    %dma_start3A_20 = arith.constant 0 : i32
    %dma_start3A_21 = arith.constant 0 : i32
    %dma_start3A_22 = tpu.memref_slice %arg3[%add3A_6, %dma_start3A_20, %dma_start3A_21] : memref<2560x2x128xi32, #tpu.memory_space<hbm>> -> memref<2x2x128xi32, #tpu.memory_space<hbm>>
    tpu.enqueue_dma source(%dma_start3A_22 : memref<2x2x128xi32, #tpu.memory_space<hbm>>) target(%dma_start3A_19 : memref<2x2x128xi32, #tpu.memory_space<vmem>>) target_semaphore(%arg8 : memref<!tpu.dma_semaphore, #tpu.memory_space<semaphore_mem>>)
    %add3A_23 = arith.constant 0 : i32
    %add3A_24 = arith.addi %mul3A_2, %add3A_23 : i32
    %add3A_25 = arith.constant 0 : i32
    %add3A_26 = arith.addi %mul3A_2, %add3A_25 : i32
    %dma_start3A_27 = arith.constant 0 : i32
    %dma_start3A_28 = tpu.memref_slice %arg11[%add3A_26, %dma_start3A_27] : memref<10240x128xf32, #tpu.memory_space<vmem_shared>> -> memref<128x128xf32, #tpu.memory_space<vmem_shared>>
    %dma_start3A_29 = arith.constant 0 : i32
    %dma_start3A_30 = tpu.memref_slice %arg4[%add3A_24, %dma_start3A_29] : memref<10240x128xf32, #tpu.memory_space<hbm>> -> memref<128x128xf32, #tpu.memory_space<hbm>>
    tpu.enqueue_dma source(%dma_start3A_30 : memref<128x128xf32, #tpu.memory_space<hbm>>) target(%dma_start3A_28 : memref<128x128xf32, #tpu.memory_space<vmem_shared>>) target_semaphore(%arg9 : memref<!tpu.dma_semaphore, #tpu.memory_space<semaphore_mem>>)
    %add3A_31 = arith.constant 128 : i32
    %add3A_32 = arith.addi %mul3A_2, %add3A_31 : i32
    %add3A_33 = arith.constant 128 : i32
    %add3A_34 = arith.addi %mul3A_2, %add3A_33 : i32
    %dma_start3A_35 = arith.constant 0 : i32
    %dma_start3A_36 = tpu.memref_slice %arg11[%add3A_34, %dma_start3A_35] : memref<10240x128xf32, #tpu.memory_space<vmem_shared>> -> memref<128x128xf32, #tpu.memory_space<vmem_shared>>
    %dma_start3A_37 = arith.constant 0 : i32
    %dma_start3A_38 = tpu.memref_slice %arg4[%add3A_32, %dma_start3A_37] : memref<10240x128xf32, #tpu.memory_space<hbm>> -> memref<128x128xf32, #tpu.memory_space<hbm>>
    tpu.enqueue_dma source(%dma_start3A_38 : memref<128x128xf32, #tpu.memory_space<hbm>>) target(%dma_start3A_36 : memref<128x128xf32, #tpu.memory_space<vmem_shared>>) target_semaphore(%arg9 : memref<!tpu.dma_semaphore, #tpu.memory_space<semaphore_mem>>)
    %add3A_39 = arith.constant 256 : i32
    %add3A_40 = arith.addi %mul3A_2, %add3A_39 : i32
    %add3A_41 = arith.constant 256 : i32
    %add3A_42 = arith.addi %mul3A_2, %add3A_41 : i32
    %dma_start3A_43 = arith.constant 0 : i32
    %dma_start3A_44 = tpu.memref_slice %arg11[%add3A_42, %dma_start3A_43] : memref<10240x128xf32, #tpu.memory_space<vmem_shared>> -> memref<128x128xf32, #tpu.memory_space<vmem_shared>>
    %dma_start3A_45 = arith.constant 0 : i32
    %dma_start3A_46 = tpu.memref_slice %arg4[%add3A_40, %dma_start3A_45] : memref<10240x128xf32, #tpu.memory_space<hbm>> -> memref<128x128xf32, #tpu.memory_space<hbm>>
    tpu.enqueue_dma source(%dma_start3A_46 : memref<128x128xf32, #tpu.memory_space<hbm>>) target(%dma_start3A_44 : memref<128x128xf32, #tpu.memory_space<vmem_shared>>) target_semaphore(%arg9 : memref<!tpu.dma_semaphore, #tpu.memory_space<semaphore_mem>>)
    %add3A_47 = arith.constant 384 : i32
    %add3A_48 = arith.addi %mul3A_2, %add3A_47 : i32
    %add3A_49 = arith.constant 384 : i32
    %add3A_50 = arith.addi %mul3A_2, %add3A_49 : i32
    %dma_start3A_51 = arith.constant 0 : i32
    %dma_start3A_52 = tpu.memref_slice %arg11[%add3A_50, %dma_start3A_51] : memref<10240x128xf32, #tpu.memory_space<vmem_shared>> -> memref<128x128xf32, #tpu.memory_space<vmem_shared>>
    %dma_start3A_53 = arith.constant 0 : i32
    %dma_start3A_54 = tpu.memref_slice %arg4[%add3A_48, %dma_start3A_53] : memref<10240x128xf32, #tpu.memory_space<hbm>> -> memref<128x128xf32, #tpu.memory_space<hbm>>
    tpu.enqueue_dma source(%dma_start3A_54 : memref<128x128xf32, #tpu.memory_space<hbm>>) target(%dma_start3A_52 : memref<128x128xf32, #tpu.memory_space<vmem_shared>>) target_semaphore(%arg9 : memref<!tpu.dma_semaphore, #tpu.memory_space<semaphore_mem>>)
    %add3A_55 = arith.constant 512 : i32
    %add3A_56 = arith.addi %mul3A_2, %add3A_55 : i32
    %add3A_57 = arith.constant 512 : i32
    %add3A_58 = arith.addi %mul3A_2, %add3A_57 : i32
    %dma_start3A_59 = arith.constant 0 : i32
    %dma_start3A_60 = tpu.memref_slice %arg11[%add3A_58, %dma_start3A_59] : memref<10240x128xf32, #tpu.memory_space<vmem_shared>> -> memref<128x128xf32, #tpu.memory_space<vmem_shared>>
    %dma_start3A_61 = arith.constant 0 : i32
    %dma_start3A_62 = tpu.memref_slice %arg4[%add3A_56, %dma_start3A_61] : memref<10240x128xf32, #tpu.memory_space<hbm>> -> memref<128x128xf32, #tpu.memory_space<hbm>>
    tpu.enqueue_dma source(%dma_start3A_62 : memref<128x128xf32, #tpu.memory_space<hbm>>) target(%dma_start3A_60 : memref<128x128xf32, #tpu.memory_space<vmem_shared>>) target_semaphore(%arg9 : memref<!tpu.dma_semaphore, #tpu.memory_space<semaphore_mem>>)
    %dma_wait3A = arith.constant 0 : i32
    %dma_wait3A_63 = tpu.memref_slice %arg11[%add3A_26, %dma_wait3A] : memref<10240x128xf32, #tpu.memory_space<vmem_shared>> -> memref<128x128xf32, #tpu.memory_space<vmem_shared>>
    %dma_wait3A_64 = arith.constant 0 : i32
    %dma_wait3A_65 = tpu.memref_slice %arg4[%add3A_24, %dma_wait3A_64] : memref<10240x128xf32, #tpu.memory_space<hbm>> -> memref<128x128xf32, #tpu.memory_space<hbm>>
    tpu.wait_dma2 semaphore(%arg9 : memref<!tpu.dma_semaphore, #tpu.memory_space<semaphore_mem>>) src(%dma_wait3A_65 : memref<128x128xf32, #tpu.memory_space<hbm>>) dst(%dma_wait3A_63 : memref<128x128xf32, #tpu.memory_space<vmem_shared>>)
    %dma_wait3A_66 = arith.constant 0 : i32
    %dma_wait3A_67 = tpu.memref_slice %arg11[%add3A_34, %dma_wait3A_66] : memref<10240x128xf32, #tpu.memory_space<vmem_shared>> -> memref<128x128xf32, #tpu.memory_space<vmem_shared>>
    %dma_wait3A_68 = arith.constant 0 : i32
    %dma_wait3A_69 = tpu.memref_slice %arg4[%add3A_32, %dma_wait3A_68] : memref<10240x128xf32, #tpu.memory_space<hbm>> -> memref<128x128xf32, #tpu.memory_space<hbm>>
    tpu.wait_dma2 semaphore(%arg9 : memref<!tpu.dma_semaphore, #tpu.memory_space<semaphore_mem>>) src(%dma_wait3A_69 : memref<128x128xf32, #tpu.memory_space<hbm>>) dst(%dma_wait3A_67 : memref<128x128xf32, #tpu.memory_space<vmem_shared>>)
    %dma_wait3A_70 = arith.constant 0 : i32
    %dma_wait3A_71 = tpu.memref_slice %arg11[%add3A_42, %dma_wait3A_70] : memref<10240x128xf32, #tpu.memory_space<vmem_shared>> -> memref<128x128xf32, #tpu.memory_space<vmem_shared>>
    %dma_wait3A_72 = arith.constant 0 : i32
    %dma_wait3A_73 = tpu.memref_slice %arg4[%add3A_40, %dma_wait3A_72] : memref<10240x128xf32, #tpu.memory_space<hbm>> -> memref<128x128xf32, #tpu.memory_space<hbm>>
    tpu.wait_dma2 semaphore(%arg9 : memref<!tpu.dma_semaphore, #tpu.memory_space<semaphore_mem>>) src(%dma_wait3A_73 : memref<128x128xf32, #tpu.memory_space<hbm>>) dst(%dma_wait3A_71 : memref<128x128xf32, #tpu.memory_space<vmem_shared>>)
    %dma_wait3A_74 = arith.constant 0 : i32
    %dma_wait3A_75 = tpu.memref_slice %arg11[%add3A_50, %dma_wait3A_74] : memref<10240x128xf32, #tpu.memory_space<vmem_shared>> -> memref<128x128xf32, #tpu.memory_space<vmem_shared>>
    %dma_wait3A_76 = arith.constant 0 : i32
    %dma_wait3A_77 = tpu.memref_slice %arg4[%add3A_48, %dma_wait3A_76] : memref<10240x128xf32, #tpu.memory_space<hbm>> -> memref<128x128xf32, #tpu.memory_space<hbm>>
    tpu.wait_dma2 semaphore(%arg9 : memref<!tpu.dma_semaphore, #tpu.memory_space<semaphore_mem>>) src(%dma_wait3A_77 : memref<128x128xf32, #tpu.memory_space<hbm>>) dst(%dma_wait3A_75 : memref<128x128xf32, #tpu.memory_space<vmem_shared>>)
    %dma_wait3A_78 = arith.constant 0 : i32
    %dma_wait3A_79 = tpu.memref_slice %arg11[%add3A_58, %dma_wait3A_78] : memref<10240x128xf32, #tpu.memory_space<vmem_shared>> -> memref<128x128xf32, #tpu.memory_space<vmem_shared>>
    %dma_wait3A_80 = arith.constant 0 : i32
    %dma_wait3A_81 = tpu.memref_slice %arg4[%add3A_56, %dma_wait3A_80] : memref<10240x128xf32, #tpu.memory_space<hbm>> -> memref<128x128xf32, #tpu.memory_space<hbm>>
    tpu.wait_dma2 semaphore(%arg9 : memref<!tpu.dma_semaphore, #tpu.memory_space<semaphore_mem>>) src(%dma_wait3A_81 : memref<128x128xf32, #tpu.memory_space<hbm>>) dst(%dma_wait3A_79 : memref<128x128xf32, #tpu.memory_space<vmem_shared>>)
    %barrier3A = arith.constant 0 : index
    tpu.barrier barrier_id(%barrier3A)
    %scan3A = arith.constant 0 : i32
    %scan3A_82 = arith.constant 0 : i32
    %scan3A_83 = arith.constant 40 : i32
    %scan3A_84 = arith.addi %scan3A_82, %scan3A_83 : i32
    %scan3A_85 = arith.constant 1 : i32
    scf.for %scan3A_186 = %scan3A_82 to %scan3A_84 step %scan3A_85  : i32 {
      %rem3A = arith.constant 4 : i32
      %rem3A_187 = arith.remsi %scan3A_186, %rem3A : i32
      %gt3A = arith.constant 0 : i32
      %gt3A_188 = arith.cmpi sgt, %scan3A_186, %gt3A : i32
      %convert_element_type3A = arith.extui %gt3A_188 : i1 to i32
      %cond3A = arith.constant 0 : i32
      %cond3A_189 = arith.cmpi ne, %convert_element_type3A, %cond3A : i32
      scf.if %cond3A_189 {
        %dma_wait3A_286 = arith.constant 0 : i32
        %dma_wait3A_287 = arith.constant 0 : i32
        %dma_wait3A_288 = arith.constant 0 : i32
        %dma_wait3A_289 = arith.constant 1 : i32
        %dma_wait3A_290 = arith.constant 0 : i32
        %dma_wait3A_291 = arith.constant 0 : i32
        %dma_wait3A_292 = tpu.memref_slice %arg7[%dma_wait3A_286, %dma_wait3A_290, %dma_wait3A_291] : memref<2x128x128xf32, #tpu.memory_space<vmem>> -> memref<1x128x128xf32, #tpu.memory_space<vmem>>
        %dma_wait3A_293 = tpu.memref_squeeze %dma_wait3A_292 : memref<1x128x128xf32, #tpu.memory_space<vmem>> -> memref<128x128xf32, #tpu.memory_space<vmem>>
        %dma_wait3A_294 = arith.constant 0 : i32
        %dma_wait3A_295 = tpu.memref_slice %arg6[%dma_wait3A_287, %dma_wait3A_288, %dma_wait3A_289, %dma_wait3A_294] : memref<4x2x2x128xi32, #tpu.memory_space<vmem>> -> memref<1x1x1x128xi32, #tpu.memory_space<vmem>>
        %dma_wait3A_296 = tpu.memref_squeeze %dma_wait3A_295 : memref<1x1x1x128xi32, #tpu.memory_space<vmem>> -> memref<128xi32, #tpu.memory_space<vmem>>
        %dma_wait3A_297 = arith.constant 0 : i32
        %dma_wait3A_298 = arith.constant 0 : i32
        %dma_wait3A_299 = tpu.memref_slice %arg11[%dma_wait3A_297, %dma_wait3A_298] : memref<10240x128xf32, #tpu.memory_space<vmem_shared>> -> memref<10240x128xf32, #tpu.memory_space<vmem_shared>>
        tpu.wait_indirect_dma semaphore(%arg10 : memref<!tpu.dma_semaphore, #tpu.memory_space<semaphore_mem>>) src(%dma_wait3A_293 : memref<128x128xf32, #tpu.memory_space<vmem>>) dst(%dma_wait3A_299 : memref<10240x128xf32, #tpu.memory_space<vmem_shared>>)
      } else {
      }
      %dma_start3A_190 = arith.constant 0 : i32
      %dma_start3A_191 = arith.constant 0 : i32
      %dma_start3A_192 = arith.constant 0 : i32
      %dma_start3A_193 = arith.constant 0 : i32
      %dma_start3A_194 = arith.constant 0 : i32
      %dma_start3A_195 = tpu.memref_slice %arg7[%dma_start3A_192, %dma_start3A_193, %dma_start3A_194] : memref<2x128x128xf32, #tpu.memory_space<vmem>> -> memref<1x128x128xf32, #tpu.memory_space<vmem>>
      %dma_start3A_196 = tpu.memref_squeeze %dma_start3A_195 : memref<1x128x128xf32, #tpu.memory_space<vmem>> -> memref<128x128xf32, #tpu.memory_space<vmem>>
      %dma_start3A_197 = arith.constant 0 : i32
      %dma_start3A_198 = tpu.memref_slice %arg6[%rem3A_187, %dma_start3A_190, %dma_start3A_191, %dma_start3A_197] : memref<4x2x2x128xi32, #tpu.memory_space<vmem>> -> memref<1x1x1x128xi32, #tpu.memory_space<vmem>>
      %dma_start3A_199 = tpu.memref_squeeze %dma_start3A_198 : memref<1x1x1x128xi32, #tpu.memory_space<vmem>> -> memref<128xi32, #tpu.memory_space<vmem>>
      %dma_start3A_200 = arith.constant 0 : i32
      %dma_start3A_201 = arith.constant 0 : i32
      %dma_start3A_202 = tpu.memref_slice %arg2[%dma_start3A_200, %dma_start3A_201] : memref<10000x128xf32, #tpu.memory_space<hbm>> -> memref<10000x128xf32, #tpu.memory_space<hbm>>
      tpu.enqueue_indirect_dma source(%dma_start3A_202 : memref<10000x128xf32, #tpu.memory_space<hbm>>) target(%dma_start3A_196 : memref<128x128xf32, #tpu.memory_space<vmem>>) offsets(%dma_start3A_199 : memref<128xi32, #tpu.memory_space<vmem>>) semaphore(%arg9 : memref<!tpu.dma_semaphore, #tpu.memory_space<semaphore_mem>>)
      %gt3A_203 = arith.constant 0 : i32
      %gt3A_204 = arith.cmpi sgt, %scan3A_186, %gt3A_203 : i32
      %convert_element_type3A_205 = arith.extui %gt3A_204 : i1 to i32
      %cond3A_206 = arith.constant 0 : i32
      %cond3A_207 = arith.cmpi ne, %convert_element_type3A_205, %cond3A_206 : i32
      scf.if %cond3A_207 {
        %dma_wait3A_286 = arith.constant 1 : i32
        %dma_wait3A_287 = arith.constant 0 : i32
        %dma_wait3A_288 = arith.constant 0 : i32
        %dma_wait3A_289 = arith.constant 1 : i32
        %dma_wait3A_290 = arith.constant 0 : i32
        %dma_wait3A_291 = arith.constant 0 : i32
        %dma_wait3A_292 = tpu.memref_slice %arg7[%dma_wait3A_286, %dma_wait3A_290, %dma_wait3A_291] : memref<2x128x128xf32, #tpu.memory_space<vmem>> -> memref<1x128x128xf32, #tpu.memory_space<vmem>>
        %dma_wait3A_293 = tpu.memref_squeeze %dma_wait3A_292 : memref<1x128x128xf32, #tpu.memory_space<vmem>> -> memref<128x128xf32, #tpu.memory_space<vmem>>
        %dma_wait3A_294 = arith.constant 0 : i32
        %dma_wait3A_295 = tpu.memref_slice %arg6[%dma_wait3A_287, %dma_wait3A_288, %dma_wait3A_289, %dma_wait3A_294] : memref<4x2x2x128xi32, #tpu.memory_space<vmem>> -> memref<1x1x1x128xi32, #tpu.memory_space<vmem>>
        %dma_wait3A_296 = tpu.memref_squeeze %dma_wait3A_295 : memref<1x1x1x128xi32, #tpu.memory_space<vmem>> -> memref<128xi32, #tpu.memory_space<vmem>>
        %dma_wait3A_297 = arith.constant 0 : i32
        %dma_wait3A_298 = arith.constant 0 : i32
        %dma_wait3A_299 = tpu.memref_slice %arg11[%dma_wait3A_297, %dma_wait3A_298] : memref<10240x128xf32, #tpu.memory_space<vmem_shared>> -> memref<10240x128xf32, #tpu.memory_space<vmem_shared>>
        tpu.wait_indirect_dma semaphore(%arg10 : memref<!tpu.dma_semaphore, #tpu.memory_space<semaphore_mem>>) src(%dma_wait3A_293 : memref<128x128xf32, #tpu.memory_space<vmem>>) dst(%dma_wait3A_299 : memref<10240x128xf32, #tpu.memory_space<vmem_shared>>)
      } else {
      }
      %dma_start3A_208 = arith.constant 1 : i32
      %dma_start3A_209 = arith.constant 0 : i32
      %dma_start3A_210 = arith.constant 1 : i32
      %dma_start3A_211 = arith.constant 0 : i32
      %dma_start3A_212 = arith.constant 0 : i32
      %dma_start3A_213 = tpu.memref_slice %arg7[%dma_start3A_210, %dma_start3A_211, %dma_start3A_212] : memref<2x128x128xf32, #tpu.memory_space<vmem>> -> memref<1x128x128xf32, #tpu.memory_space<vmem>>
      %dma_start3A_214 = tpu.memref_squeeze %dma_start3A_213 : memref<1x128x128xf32, #tpu.memory_space<vmem>> -> memref<128x128xf32, #tpu.memory_space<vmem>>
      %dma_start3A_215 = arith.constant 0 : i32
      %dma_start3A_216 = tpu.memref_slice %arg6[%rem3A_187, %dma_start3A_208, %dma_start3A_209, %dma_start3A_215] : memref<4x2x2x128xi32, #tpu.memory_space<vmem>> -> memref<1x1x1x128xi32, #tpu.memory_space<vmem>>
      %dma_start3A_217 = tpu.memref_squeeze %dma_start3A_216 : memref<1x1x1x128xi32, #tpu.memory_space<vmem>> -> memref<128xi32, #tpu.memory_space<vmem>>
      %dma_start3A_218 = arith.constant 0 : i32
      %dma_start3A_219 = arith.constant 0 : i32
      %dma_start3A_220 = tpu.memref_slice %arg2[%dma_start3A_218, %dma_start3A_219] : memref<10000x128xf32, #tpu.memory_space<hbm>> -> memref<10000x128xf32, #tpu.memory_space<hbm>>
      tpu.enqueue_indirect_dma source(%dma_start3A_220 : memref<10000x128xf32, #tpu.memory_space<hbm>>) target(%dma_start3A_214 : memref<128x128xf32, #tpu.memory_space<vmem>>) offsets(%dma_start3A_217 : memref<128xi32, #tpu.memory_space<vmem>>) semaphore(%arg9 : memref<!tpu.dma_semaphore, #tpu.memory_space<semaphore_mem>>)
      %add3A_221 = arith.constant 2 : i32
      %add3A_222 = arith.addi %scan3A_186, %add3A_221 : i32
      %lt3A = arith.constant 40 : i32
      %lt3A_223 = arith.cmpi slt, %add3A_222, %lt3A : i32
      %convert_element_type3A_224 = arith.extui %lt3A_223 : i1 to i32
      %cond3A_225 = arith.constant 0 : i32
      %cond3A_226 = arith.cmpi ne, %convert_element_type3A_224, %cond3A_225 : i32
      scf.if %cond3A_226 {
        %add3A_286 = arith.constant 2 : i32
        %add3A_287 = arith.addi %scan3A_186, %add3A_286 : i32
        %mul3A_288 = arith.constant 2 : i32
        %mul3A_289 = arith.muli %add3A_287, %mul3A_288 : i32
        %add3A_290 = arith.addi %mul3A_4, %mul3A_289 : i32
        %add3A_291 = arith.constant 2 : i32
        %add3A_292 = arith.addi %scan3A_186, %add3A_291 : i32
        %rem3A_293 = arith.constant 4 : i32
        %rem3A_294 = arith.remsi %add3A_292, %rem3A_293 : i32
        %dma_start3A_295 = arith.constant 0 : i32
        %dma_start3A_296 = arith.constant 0 : i32
        %dma_start3A_297 = arith.constant 0 : i32
        %dma_start3A_298 = tpu.memref_slice %arg6[%rem3A_294, %dma_start3A_295, %dma_start3A_296, %dma_start3A_297] : memref<4x2x2x128xi32, #tpu.memory_space<vmem>> -> memref<1x2x2x128xi32, #tpu.memory_space<vmem>>
        %dma_start3A_299 = tpu.memref_squeeze %dma_start3A_298 : memref<1x2x2x128xi32, #tpu.memory_space<vmem>> -> memref<2x2x128xi32, #tpu.memory_space<vmem>>
        %dma_start3A_300 = arith.constant 0 : i32
        %dma_start3A_301 = arith.constant 0 : i32
        %dma_start3A_302 = tpu.memref_slice %arg3[%add3A_290, %dma_start3A_300, %dma_start3A_301] : memref<2560x2x128xi32, #tpu.memory_space<hbm>> -> memref<2x2x128xi32, #tpu.memory_space<hbm>>
        %dma_start3A_303 = arith.constant 0 : i32
        %dma_start3A_304 = arith.constant 0 : i32
        %dma_start3A_305 = arith.constant 0 : i32
        %dma_start3A_306 = tpu.memref_slice %arg6[%rem3A_294, %dma_start3A_303, %dma_start3A_304, %dma_start3A_305] : memref<4x2x2x128xi32, #tpu.memory_space<vmem>> -> memref<1x2x2x128xi32, #tpu.memory_space<vmem>>
        %dma_start3A_307 = tpu.memref_squeeze %dma_start3A_306 : memref<1x2x2x128xi32, #tpu.memory_space<vmem>> -> memref<2x2x128xi32, #tpu.memory_space<vmem>>
        %dma_start3A_308 = arith.constant 0 : i32
        %dma_start3A_309 = arith.constant 0 : i32
        %dma_start3A_310 = tpu.memref_slice %arg3[%add3A_290, %dma_start3A_308, %dma_start3A_309] : memref<2560x2x128xi32, #tpu.memory_space<hbm>> -> memref<2x2x128xi32, #tpu.memory_space<hbm>>
        tpu.enqueue_dma source(%dma_start3A_310 : memref<2x2x128xi32, #tpu.memory_space<hbm>>) target(%dma_start3A_307 : memref<2x2x128xi32, #tpu.memory_space<vmem>>) target_semaphore(%arg8 : memref<!tpu.dma_semaphore, #tpu.memory_space<semaphore_mem>>)
      } else {
      }
      %dma_wait3A_227 = arith.constant 0 : i32
      %dma_wait3A_228 = arith.constant 0 : i32
      %dma_wait3A_229 = arith.constant 0 : i32
      %dma_wait3A_230 = arith.constant 0 : i32
      %dma_wait3A_231 = arith.constant 0 : i32
      %dma_wait3A_232 = tpu.memref_slice %arg7[%dma_wait3A_229, %dma_wait3A_230, %dma_wait3A_231] : memref<2x128x128xf32, #tpu.memory_space<vmem>> -> memref<1x128x128xf32, #tpu.memory_space<vmem>>
      %dma_wait3A_233 = tpu.memref_squeeze %dma_wait3A_232 : memref<1x128x128xf32, #tpu.memory_space<vmem>> -> memref<128x128xf32, #tpu.memory_space<vmem>>
      %dma_wait3A_234 = arith.constant 0 : i32
      %dma_wait3A_235 = tpu.memref_slice %arg6[%rem3A_187, %dma_wait3A_227, %dma_wait3A_228, %dma_wait3A_234] : memref<4x2x2x128xi32, #tpu.memory_space<vmem>> -> memref<1x1x1x128xi32, #tpu.memory_space<vmem>>
      %dma_wait3A_236 = tpu.memref_squeeze %dma_wait3A_235 : memref<1x1x1x128xi32, #tpu.memory_space<vmem>> -> memref<128xi32, #tpu.memory_space<vmem>>
      %dma_wait3A_237 = arith.constant 0 : i32
      %dma_wait3A_238 = arith.constant 0 : i32
      %dma_wait3A_239 = tpu.memref_slice %arg2[%dma_wait3A_237, %dma_wait3A_238] : memref<10000x128xf32, #tpu.memory_space<hbm>> -> memref<10000x128xf32, #tpu.memory_space<hbm>>
      tpu.wait_indirect_dma semaphore(%arg9 : memref<!tpu.dma_semaphore, #tpu.memory_space<semaphore_mem>>) src(%dma_wait3A_239 : memref<10000x128xf32, #tpu.memory_space<hbm>>) dst(%dma_wait3A_233 : memref<128x128xf32, #tpu.memory_space<vmem>>)
      %dma_start3A_240 = arith.constant 0 : i32
      %dma_start3A_241 = arith.constant 0 : i32
      %dma_start3A_242 = arith.constant 1 : i32
      %dma_start3A_243 = arith.constant 0 : i32
      %dma_start3A_244 = arith.constant 0 : i32
      %dma_start3A_245 = tpu.memref_slice %arg7[%dma_start3A_240, %dma_start3A_243, %dma_start3A_244] : memref<2x128x128xf32, #tpu.memory_space<vmem>> -> memref<1x128x128xf32, #tpu.memory_space<vmem>>
      %dma_start3A_246 = tpu.memref_squeeze %dma_start3A_245 : memref<1x128x128xf32, #tpu.memory_space<vmem>> -> memref<128x128xf32, #tpu.memory_space<vmem>>
      %dma_start3A_247 = arith.constant 0 : i32
      %dma_start3A_248 = tpu.memref_slice %arg6[%rem3A_187, %dma_start3A_241, %dma_start3A_242, %dma_start3A_247] : memref<4x2x2x128xi32, #tpu.memory_space<vmem>> -> memref<1x1x1x128xi32, #tpu.memory_space<vmem>>
      %dma_start3A_249 = tpu.memref_squeeze %dma_start3A_248 : memref<1x1x1x128xi32, #tpu.memory_space<vmem>> -> memref<128xi32, #tpu.memory_space<vmem>>
      %dma_start3A_250 = arith.constant 0 : i32
      %dma_start3A_251 = arith.constant 0 : i32
      %dma_start3A_252 = tpu.memref_slice %arg11[%dma_start3A_250, %dma_start3A_251] : memref<10240x128xf32, #tpu.memory_space<vmem_shared>> -> memref<10240x128xf32, #tpu.memory_space<vmem_shared>>
      tpu.enqueue_indirect_dma source(%dma_start3A_246 : memref<128x128xf32, #tpu.memory_space<vmem>>) target(%dma_start3A_252 : memref<10240x128xf32, #tpu.memory_space<vmem_shared>>) offsets(%dma_start3A_249 : memref<128xi32, #tpu.memory_space<vmem>>) semaphore(%arg10 : memref<!tpu.dma_semaphore, #tpu.memory_space<semaphore_mem>>) {add = true}
      %dma_wait3A_253 = arith.constant 1 : i32
      %dma_wait3A_254 = arith.constant 0 : i32
      %dma_wait3A_255 = arith.constant 1 : i32
      %dma_wait3A_256 = arith.constant 0 : i32
      %dma_wait3A_257 = arith.constant 0 : i32
      %dma_wait3A_258 = tpu.memref_slice %arg7[%dma_wait3A_255, %dma_wait3A_256, %dma_wait3A_257] : memref<2x128x128xf32, #tpu.memory_space<vmem>> -> memref<1x128x128xf32, #tpu.memory_space<vmem>>
      %dma_wait3A_259 = tpu.memref_squeeze %dma_wait3A_258 : memref<1x128x128xf32, #tpu.memory_space<vmem>> -> memref<128x128xf32, #tpu.memory_space<vmem>>
      %dma_wait3A_260 = arith.constant 0 : i32
      %dma_wait3A_261 = tpu.memref_slice %arg6[%rem3A_187, %dma_wait3A_253, %dma_wait3A_254, %dma_wait3A_260] : memref<4x2x2x128xi32, #tpu.memory_space<vmem>> -> memref<1x1x1x128xi32, #tpu.memory_space<vmem>>
      %dma_wait3A_262 = tpu.memref_squeeze %dma_wait3A_261 : memref<1x1x1x128xi32, #tpu.memory_space<vmem>> -> memref<128xi32, #tpu.memory_space<vmem>>
      %dma_wait3A_263 = arith.constant 0 : i32
      %dma_wait3A_264 = arith.constant 0 : i32
      %dma_wait3A_265 = tpu.memref_slice %arg2[%dma_wait3A_263, %dma_wait3A_264] : memref<10000x128xf32, #tpu.memory_space<hbm>> -> memref<10000x128xf32, #tpu.memory_space<hbm>>
      tpu.wait_indirect_dma semaphore(%arg9 : memref<!tpu.dma_semaphore, #tpu.memory_space<semaphore_mem>>) src(%dma_wait3A_265 : memref<10000x128xf32, #tpu.memory_space<hbm>>) dst(%dma_wait3A_259 : memref<128x128xf32, #tpu.memory_space<vmem>>)
      %dma_start3A_266 = arith.constant 1 : i32
      %dma_start3A_267 = arith.constant 1 : i32
      %dma_start3A_268 = arith.constant 1 : i32
      %dma_start3A_269 = arith.constant 0 : i32
      %dma_start3A_270 = arith.constant 0 : i32
      %dma_start3A_271 = tpu.memref_slice %arg7[%dma_start3A_266, %dma_start3A_269, %dma_start3A_270] : memref<2x128x128xf32, #tpu.memory_space<vmem>> -> memref<1x128x128xf32, #tpu.memory_space<vmem>>
      %dma_start3A_272 = tpu.memref_squeeze %dma_start3A_271 : memref<1x128x128xf32, #tpu.memory_space<vmem>> -> memref<128x128xf32, #tpu.memory_space<vmem>>
      %dma_start3A_273 = arith.constant 0 : i32
      %dma_start3A_274 = tpu.memref_slice %arg6[%rem3A_187, %dma_start3A_267, %dma_start3A_268, %dma_start3A_273] : memref<4x2x2x128xi32, #tpu.memory_space<vmem>> -> memref<1x1x1x128xi32, #tpu.memory_space<vmem>>
      %dma_start3A_275 = tpu.memref_squeeze %dma_start3A_274 : memref<1x1x1x128xi32, #tpu.memory_space<vmem>> -> memref<128xi32, #tpu.memory_space<vmem>>
      %dma_start3A_276 = arith.constant 0 : i32
      %dma_start3A_277 = arith.constant 0 : i32
      %dma_start3A_278 = tpu.memref_slice %arg11[%dma_start3A_276, %dma_start3A_277] : memref<10240x128xf32, #tpu.memory_space<vmem_shared>> -> memref<10240x128xf32, #tpu.memory_space<vmem_shared>>
      tpu.enqueue_indirect_dma source(%dma_start3A_272 : memref<128x128xf32, #tpu.memory_space<vmem>>) target(%dma_start3A_278 : memref<10240x128xf32, #tpu.memory_space<vmem_shared>>) offsets(%dma_start3A_275 : memref<128xi32, #tpu.memory_space<vmem>>) semaphore(%arg10 : memref<!tpu.dma_semaphore, #tpu.memory_space<semaphore_mem>>) {add = true}
      %add3A_279 = arith.constant 1 : i32
      %add3A_280 = arith.addi %scan3A_186, %add3A_279 : i32
      %lt3A_281 = arith.constant 40 : i32
      %lt3A_282 = arith.cmpi slt, %add3A_280, %lt3A_281 : i32
      %convert_element_type3A_283 = arith.extui %lt3A_282 : i1 to i32
      %cond3A_284 = arith.constant 0 : i32
      %cond3A_285 = arith.cmpi ne, %convert_element_type3A_283, %cond3A_284 : i32
      scf.if %cond3A_285 {
        %dma_wait3A_286 = arith.constant 0 : i32
        %dma_wait3A_287 = arith.constant 0 : i32
        %dma_wait3A_288 = arith.constant 0 : i32
        %dma_wait3A_289 = arith.constant 0 : i32
        %dma_wait3A_290 = tpu.memref_slice %arg6[%dma_wait3A_286, %dma_wait3A_287, %dma_wait3A_288, %dma_wait3A_289] : memref<4x2x2x128xi32, #tpu.memory_space<vmem>> -> memref<1x2x2x128xi32, #tpu.memory_space<vmem>>
        %dma_wait3A_291 = tpu.memref_squeeze %dma_wait3A_290 : memref<1x2x2x128xi32, #tpu.memory_space<vmem>> -> memref<2x2x128xi32, #tpu.memory_space<vmem>>
        %dma_wait3A_292 = arith.constant 0 : i32
        %dma_wait3A_293 = arith.constant 0 : i32
        %dma_wait3A_294 = tpu.memref_slice %arg3[%mul3A_4, %dma_wait3A_292, %dma_wait3A_293] : memref<2560x2x128xi32, #tpu.memory_space<hbm>> -> memref<2x2x128xi32, #tpu.memory_space<hbm>>
        %dma_wait3A_295 = arith.constant 0 : i32
        %dma_wait3A_296 = arith.constant 0 : i32
        %dma_wait3A_297 = arith.constant 0 : i32
        %dma_wait3A_298 = tpu.memref_slice %arg6[%dma_wait3A_286, %dma_wait3A_295, %dma_wait3A_296, %dma_wait3A_297] : memref<4x2x2x128xi32, #tpu.memory_space<vmem>> -> memref<1x2x2x128xi32, #tpu.memory_space<vmem>>
        %dma_wait3A_299 = tpu.memref_squeeze %dma_wait3A_298 : memref<1x2x2x128xi32, #tpu.memory_space<vmem>> -> memref<2x2x128xi32, #tpu.memory_space<vmem>>
        %dma_wait3A_300 = arith.constant 0 : i32
        %dma_wait3A_301 = arith.constant 0 : i32
        %dma_wait3A_302 = tpu.memref_slice %arg3[%mul3A_4, %dma_wait3A_300, %dma_wait3A_301] : memref<2560x2x128xi32, #tpu.memory_space<hbm>> -> memref<2x2x128xi32, #tpu.memory_space<hbm>>
        tpu.wait_dma2 semaphore(%arg8 : memref<!tpu.dma_semaphore, #tpu.memory_space<semaphore_mem>>) src(%dma_wait3A_302 : memref<2x2x128xi32, #tpu.memory_space<hbm>>) dst(%dma_wait3A_299 : memref<2x2x128xi32, #tpu.memory_space<vmem>>)
      } else {
      }
    }
    %scan3A_86 = arith.constant 40 : i32
    %dma_wait3A_87 = arith.constant 0 : i32
    %dma_wait3A_88 = arith.constant 0 : i32
    %dma_wait3A_89 = arith.constant 0 : i32
    %dma_wait3A_90 = arith.constant 1 : i32
    %dma_wait3A_91 = arith.constant 0 : i32
    %dma_wait3A_92 = arith.constant 0 : i32
    %dma_wait3A_93 = tpu.memref_slice %arg7[%dma_wait3A_87, %dma_wait3A_91, %dma_wait3A_92] : memref<2x128x128xf32, #tpu.memory_space<vmem>> -> memref<1x128x128xf32, #tpu.memory_space<vmem>>
    %dma_wait3A_94 = tpu.memref_squeeze %dma_wait3A_93 : memref<1x128x128xf32, #tpu.memory_space<vmem>> -> memref<128x128xf32, #tpu.memory_space<vmem>>
    %dma_wait3A_95 = arith.constant 0 : i32
    %dma_wait3A_96 = tpu.memref_slice %arg6[%dma_wait3A_88, %dma_wait3A_89, %dma_wait3A_90, %dma_wait3A_95] : memref<4x2x2x128xi32, #tpu.memory_space<vmem>> -> memref<1x1x1x128xi32, #tpu.memory_space<vmem>>
    %dma_wait3A_97 = tpu.memref_squeeze %dma_wait3A_96 : memref<1x1x1x128xi32, #tpu.memory_space<vmem>> -> memref<128xi32, #tpu.memory_space<vmem>>
    %dma_wait3A_98 = arith.constant 0 : i32
    %dma_wait3A_99 = arith.constant 0 : i32
    %dma_wait3A_100 = tpu.memref_slice %arg11[%dma_wait3A_98, %dma_wait3A_99] : memref<10240x128xf32, #tpu.memory_space<vmem_shared>> -> memref<10240x128xf32, #tpu.memory_space<vmem_shared>>
    tpu.wait_indirect_dma semaphore(%arg10 : memref<!tpu.dma_semaphore, #tpu.memory_space<semaphore_mem>>) src(%dma_wait3A_94 : memref<128x128xf32, #tpu.memory_space<vmem>>) dst(%dma_wait3A_100 : memref<10240x128xf32, #tpu.memory_space<vmem_shared>>)
    %dma_wait3A_101 = arith.constant 1 : i32
    %dma_wait3A_102 = arith.constant 0 : i32
    %dma_wait3A_103 = arith.constant 0 : i32
    %dma_wait3A_104 = arith.constant 1 : i32
    %dma_wait3A_105 = arith.constant 0 : i32
    %dma_wait3A_106 = arith.constant 0 : i32
    %dma_wait3A_107 = tpu.memref_slice %arg7[%dma_wait3A_101, %dma_wait3A_105, %dma_wait3A_106] : memref<2x128x128xf32, #tpu.memory_space<vmem>> -> memref<1x128x128xf32, #tpu.memory_space<vmem>>
    %dma_wait3A_108 = tpu.memref_squeeze %dma_wait3A_107 : memref<1x128x128xf32, #tpu.memory_space<vmem>> -> memref<128x128xf32, #tpu.memory_space<vmem>>
    %dma_wait3A_109 = arith.constant 0 : i32
    %dma_wait3A_110 = tpu.memref_slice %arg6[%dma_wait3A_102, %dma_wait3A_103, %dma_wait3A_104, %dma_wait3A_109] : memref<4x2x2x128xi32, #tpu.memory_space<vmem>> -> memref<1x1x1x128xi32, #tpu.memory_space<vmem>>
    %dma_wait3A_111 = tpu.memref_squeeze %dma_wait3A_110 : memref<1x1x1x128xi32, #tpu.memory_space<vmem>> -> memref<128xi32, #tpu.memory_space<vmem>>
    %dma_wait3A_112 = arith.constant 0 : i32
    %dma_wait3A_113 = arith.constant 0 : i32
    %dma_wait3A_114 = tpu.memref_slice %arg11[%dma_wait3A_112, %dma_wait3A_113] : memref<10240x128xf32, #tpu.memory_space<vmem_shared>> -> memref<10240x128xf32, #tpu.memory_space<vmem_shared>>
    tpu.wait_indirect_dma semaphore(%arg10 : memref<!tpu.dma_semaphore, #tpu.memory_space<semaphore_mem>>) src(%dma_wait3A_108 : memref<128x128xf32, #tpu.memory_space<vmem>>) dst(%dma_wait3A_114 : memref<10240x128xf32, #tpu.memory_space<vmem_shared>>)
    %barrier3A_115 = arith.constant 0 : index
    tpu.barrier barrier_id(%barrier3A_115)
    %add3A_116 = arith.constant 0 : i32
    %add3A_117 = arith.addi %mul3A_2, %add3A_116 : i32
    %add3A_118 = arith.constant 0 : i32
    %add3A_119 = arith.addi %mul3A_2, %add3A_118 : i32
    %dma_start3A_120 = arith.constant 0 : i32
    %dma_start3A_121 = tpu.memref_slice %arg5[%arg0, %add3A_119, %dma_start3A_120] : memref<2x10240x128xf32, #tpu.memory_space<hbm>> -> memref<1x128x128xf32, #tpu.memory_space<hbm>>
    %dma_start3A_122 = tpu.memref_squeeze %dma_start3A_121 : memref<1x128x128xf32, #tpu.memory_space<hbm>> -> memref<128x128xf32, #tpu.memory_space<hbm>>
    %dma_start3A_123 = arith.constant 0 : i32
    %dma_start3A_124 = tpu.memref_slice %arg11[%add3A_117, %dma_start3A_123] : memref<10240x128xf32, #tpu.memory_space<vmem_shared>> -> memref<128x128xf32, #tpu.memory_space<vmem_shared>>
    tpu.enqueue_dma source(%dma_start3A_124 : memref<128x128xf32, #tpu.memory_space<vmem_shared>>) target(%dma_start3A_122 : memref<128x128xf32, #tpu.memory_space<hbm>>) target_semaphore(%arg9 : memref<!tpu.dma_semaphore, #tpu.memory_space<semaphore_mem>>)
    %add3A_125 = arith.constant 128 : i32
    %add3A_126 = arith.addi %mul3A_2, %add3A_125 : i32
    %add3A_127 = arith.constant 128 : i32
    %add3A_128 = arith.addi %mul3A_2, %add3A_127 : i32
    %dma_start3A_129 = arith.constant 0 : i32
    %dma_start3A_130 = tpu.memref_slice %arg5[%arg0, %add3A_128, %dma_start3A_129] : memref<2x10240x128xf32, #tpu.memory_space<hbm>> -> memref<1x128x128xf32, #tpu.memory_space<hbm>>
    %dma_start3A_131 = tpu.memref_squeeze %dma_start3A_130 : memref<1x128x128xf32, #tpu.memory_space<hbm>> -> memref<128x128xf32, #tpu.memory_space<hbm>>
    %dma_start3A_132 = arith.constant 0 : i32
    %dma_start3A_133 = tpu.memref_slice %arg11[%add3A_126, %dma_start3A_132] : memref<10240x128xf32, #tpu.memory_space<vmem_shared>> -> memref<128x128xf32, #tpu.memory_space<vmem_shared>>
    tpu.enqueue_dma source(%dma_start3A_133 : memref<128x128xf32, #tpu.memory_space<vmem_shared>>) target(%dma_start3A_131 : memref<128x128xf32, #tpu.memory_space<hbm>>) target_semaphore(%arg9 : memref<!tpu.dma_semaphore, #tpu.memory_space<semaphore_mem>>)
    %add3A_134 = arith.constant 256 : i32
    %add3A_135 = arith.addi %mul3A_2, %add3A_134 : i32
    %add3A_136 = arith.constant 256 : i32
    %add3A_137 = arith.addi %mul3A_2, %add3A_136 : i32
    %dma_start3A_138 = arith.constant 0 : i32
    %dma_start3A_139 = tpu.memref_slice %arg5[%arg0, %add3A_137, %dma_start3A_138] : memref<2x10240x128xf32, #tpu.memory_space<hbm>> -> memref<1x128x128xf32, #tpu.memory_space<hbm>>
    %dma_start3A_140 = tpu.memref_squeeze %dma_start3A_139 : memref<1x128x128xf32, #tpu.memory_space<hbm>> -> memref<128x128xf32, #tpu.memory_space<hbm>>
    %dma_start3A_141 = arith.constant 0 : i32
    %dma_start3A_142 = tpu.memref_slice %arg11[%add3A_135, %dma_start3A_141] : memref<10240x128xf32, #tpu.memory_space<vmem_shared>> -> memref<128x128xf32, #tpu.memory_space<vmem_shared>>
    tpu.enqueue_dma source(%dma_start3A_142 : memref<128x128xf32, #tpu.memory_space<vmem_shared>>) target(%dma_start3A_140 : memref<128x128xf32, #tpu.memory_space<hbm>>) target_semaphore(%arg9 : memref<!tpu.dma_semaphore, #tpu.memory_space<semaphore_mem>>)
    %add3A_143 = arith.constant 384 : i32
    %add3A_144 = arith.addi %mul3A_2, %add3A_143 : i32
    %add3A_145 = arith.constant 384 : i32
    %add3A_146 = arith.addi %mul3A_2, %add3A_145 : i32
    %dma_start3A_147 = arith.constant 0 : i32
    %dma_start3A_148 = tpu.memref_slice %arg5[%arg0, %add3A_146, %dma_start3A_147] : memref<2x10240x128xf32, #tpu.memory_space<hbm>> -> memref<1x128x128xf32, #tpu.memory_space<hbm>>
    %dma_start3A_149 = tpu.memref_squeeze %dma_start3A_148 : memref<1x128x128xf32, #tpu.memory_space<hbm>> -> memref<128x128xf32, #tpu.memory_space<hbm>>
    %dma_start3A_150 = arith.constant 0 : i32
    %dma_start3A_151 = tpu.memref_slice %arg11[%add3A_144, %dma_start3A_150] : memref<10240x128xf32, #tpu.memory_space<vmem_shared>> -> memref<128x128xf32, #tpu.memory_space<vmem_shared>>
    tpu.enqueue_dma source(%dma_start3A_151 : memref<128x128xf32, #tpu.memory_space<vmem_shared>>) target(%dma_start3A_149 : memref<128x128xf32, #tpu.memory_space<hbm>>) target_semaphore(%arg9 : memref<!tpu.dma_semaphore, #tpu.memory_space<semaphore_mem>>)
    %add3A_152 = arith.constant 512 : i32
    %add3A_153 = arith.addi %mul3A_2, %add3A_152 : i32
    %add3A_154 = arith.constant 512 : i32
    %add3A_155 = arith.addi %mul3A_2, %add3A_154 : i32
    %dma_start3A_156 = arith.constant 0 : i32
    %dma_start3A_157 = tpu.memref_slice %arg5[%arg0, %add3A_155, %dma_start3A_156] : memref<2x10240x128xf32, #tpu.memory_space<hbm>> -> memref<1x128x128xf32, #tpu.memory_space<hbm>>
    %dma_start3A_158 = tpu.memref_squeeze %dma_start3A_157 : memref<1x128x128xf32, #tpu.memory_space<hbm>> -> memref<128x128xf32, #tpu.memory_space<hbm>>
    %dma_start3A_159 = arith.constant 0 : i32
    %dma_start3A_160 = tpu.memref_slice %arg11[%add3A_153, %dma_start3A_159] : memref<10240x128xf32, #tpu.memory_space<vmem_shared>> -> memref<128x128xf32, #tpu.memory_space<vmem_shared>>
    tpu.enqueue_dma source(%dma_start3A_160 : memref<128x128xf32, #tpu.memory_space<vmem_shared>>) target(%dma_start3A_158 : memref<128x128xf32, #tpu.memory_space<hbm>>) target_semaphore(%arg9 : memref<!tpu.dma_semaphore, #tpu.memory_space<semaphore_mem>>)
    %dma_wait3A_161 = arith.constant 0 : i32
    %dma_wait3A_162 = tpu.memref_slice %arg5[%arg0, %add3A_119, %dma_wait3A_161] : memref<2x10240x128xf32, #tpu.memory_space<hbm>> -> memref<1x128x128xf32, #tpu.memory_space<hbm>>
    %dma_wait3A_163 = tpu.memref_squeeze %dma_wait3A_162 : memref<1x128x128xf32, #tpu.memory_space<hbm>> -> memref<128x128xf32, #tpu.memory_space<hbm>>
    %dma_wait3A_164 = arith.constant 0 : i32
    %dma_wait3A_165 = tpu.memref_slice %arg11[%add3A_117, %dma_wait3A_164] : memref<10240x128xf32, #tpu.memory_space<vmem_shared>> -> memref<128x128xf32, #tpu.memory_space<vmem_shared>>
    tpu.wait_dma2 semaphore(%arg9 : memref<!tpu.dma_semaphore, #tpu.memory_space<semaphore_mem>>) src(%dma_wait3A_165 : memref<128x128xf32, #tpu.memory_space<vmem_shared>>) dst(%dma_wait3A_163 : memref<128x128xf32, #tpu.memory_space<hbm>>)
    %dma_wait3A_166 = arith.constant 0 : i32
    %dma_wait3A_167 = tpu.memref_slice %arg5[%arg0, %add3A_128, %dma_wait3A_166] : memref<2x10240x128xf32, #tpu.memory_space<hbm>> -> memref<1x128x128xf32, #tpu.memory_space<hbm>>
    %dma_wait3A_168 = tpu.memref_squeeze %dma_wait3A_167 : memref<1x128x128xf32, #tpu.memory_space<hbm>> -> memref<128x128xf32, #tpu.memory_space<hbm>>
    %dma_wait3A_169 = arith.constant 0 : i32
    %dma_wait3A_170 = tpu.memref_slice %arg11[%add3A_126, %dma_wait3A_169] : memref<10240x128xf32, #tpu.memory_space<vmem_shared>> -> memref<128x128xf32, #tpu.memory_space<vmem_shared>>
    tpu.wait_dma2 semaphore(%arg9 : memref<!tpu.dma_semaphore, #tpu.memory_space<semaphore_mem>>) src(%dma_wait3A_170 : memref<128x128xf32, #tpu.memory_space<vmem_shared>>) dst(%dma_wait3A_168 : memref<128x128xf32, #tpu.memory_space<hbm>>)
    %dma_wait3A_171 = arith.constant 0 : i32
    %dma_wait3A_172 = tpu.memref_slice %arg5[%arg0, %add3A_137, %dma_wait3A_171] : memref<2x10240x128xf32, #tpu.memory_space<hbm>> -> memref<1x128x128xf32, #tpu.memory_space<hbm>>
    %dma_wait3A_173 = tpu.memref_squeeze %dma_wait3A_172 : memref<1x128x128xf32, #tpu.memory_space<hbm>> -> memref<128x128xf32, #tpu.memory_space<hbm>>
    %dma_wait3A_174 = arith.constant 0 : i32
    %dma_wait3A_175 = tpu.memref_slice %arg11[%add3A_135, %dma_wait3A_174] : memref<10240x128xf32, #tpu.memory_space<vmem_shared>> -> memref<128x128xf32, #tpu.memory_space<vmem_shared>>
    tpu.wait_dma2 semaphore(%arg9 : memref<!tpu.dma_semaphore, #tpu.memory_space<semaphore_mem>>) src(%dma_wait3A_175 : memref<128x128xf32, #tpu.memory_space<vmem_shared>>) dst(%dma_wait3A_173 : memref<128x128xf32, #tpu.memory_space<hbm>>)
    %dma_wait3A_176 = arith.constant 0 : i32
    %dma_wait3A_177 = tpu.memref_slice %arg5[%arg0, %add3A_146, %dma_wait3A_176] : memref<2x10240x128xf32, #tpu.memory_space<hbm>> -> memref<1x128x128xf32, #tpu.memory_space<hbm>>
    %dma_wait3A_178 = tpu.memref_squeeze %dma_wait3A_177 : memref<1x128x128xf32, #tpu.memory_space<hbm>> -> memref<128x128xf32, #tpu.memory_space<hbm>>
    %dma_wait3A_179 = arith.constant 0 : i32
    %dma_wait3A_180 = tpu.memref_slice %arg11[%add3A_144, %dma_wait3A_179] : memref<10240x128xf32, #tpu.memory_space<vmem_shared>> -> memref<128x128xf32, #tpu.memory_space<vmem_shared>>
    tpu.wait_dma2 semaphore(%arg9 : memref<!tpu.dma_semaphore, #tpu.memory_space<semaphore_mem>>) src(%dma_wait3A_180 : memref<128x128xf32, #tpu.memory_space<vmem_shared>>) dst(%dma_wait3A_178 : memref<128x128xf32, #tpu.memory_space<hbm>>)
    %dma_wait3A_181 = arith.constant 0 : i32
    %dma_wait3A_182 = tpu.memref_slice %arg5[%arg0, %add3A_155, %dma_wait3A_181] : memref<2x10240x128xf32, #tpu.memory_space<hbm>> -> memref<1x128x128xf32, #tpu.memory_space<hbm>>
    %dma_wait3A_183 = tpu.memref_squeeze %dma_wait3A_182 : memref<1x128x128xf32, #tpu.memory_space<hbm>> -> memref<128x128xf32, #tpu.memory_space<hbm>>
    %dma_wait3A_184 = arith.constant 0 : i32
    %dma_wait3A_185 = tpu.memref_slice %arg11[%add3A_153, %dma_wait3A_184] : memref<10240x128xf32, #tpu.memory_space<vmem_shared>> -> memref<128x128xf32, #tpu.memory_space<vmem_shared>>
    tpu.wait_dma2 semaphore(%arg9 : memref<!tpu.dma_semaphore, #tpu.memory_space<semaphore_mem>>) src(%dma_wait3A_185 : memref<128x128xf32, #tpu.memory_space<vmem_shared>>) dst(%dma_wait3A_183 : memref<128x128xf32, #tpu.memory_space<hbm>>)
    return
  }
}

module attributes {stable_mosaic.version = 14 : i64} {
  func.func @_scale_body(%arg0: i32, %arg1: memref<2000x128xf32, #tpu.memory_space<vmem>>, %arg2: memref<2x2000x1xf32, #tpu.memory_space<vmem>>, %arg3: memref<2000x128xf32, #tpu.memory_space<vmem>>, %arg4: memref<2000x1xf32, #tpu.memory_space<vmem>>) attributes {dimension_semantics = [#tpu.dimension_semantics<arbitrary>], iteration_bounds = array<i64: 5>, scalar_prefetch = 0 : i64, scratch_operands = 0 : i64, tpu.core_type = #tpu.core_type<tc>, window_params = [{transform_indices = @transform_0, window_bounds = array<i64: 2000, 128>}, {transform_indices = @transform_1, window_bounds = array<i64: 2, 2000, 1>}, {transform_indices = @transform_2, window_bounds = array<i64: 2000, 128>}, {transform_indices = @transform_3, window_bounds = array<i64: 2000, 1>}]} {
    %get3A = arith.constant 0 : index
    %get3A_0 = arith.constant 0 : index
    %get3A_1 = arith.constant 0 : index
    %get3A_2 = vector.load %arg2[%get3A, %get3A_0, %get3A_1] : memref<2x2000x1xf32, #tpu.memory_space<vmem>>, vector<1x2000x1xf32>
    %get3A_3 = vector.shape_cast %get3A_2 : vector<1x2000x1xf32> to vector<2000x1xf32>
    %get3A_4 = arith.constant 1 : index
    %get3A_5 = arith.constant 0 : index
    %get3A_6 = arith.constant 0 : index
    %get3A_7 = vector.load %arg2[%get3A_4, %get3A_5, %get3A_6] : memref<2x2000x1xf32, #tpu.memory_space<vmem>>, vector<1x2000x1xf32>
    %get3A_8 = vector.shape_cast %get3A_7 : vector<1x2000x1xf32> to vector<2000x1xf32>
    %add3A = arith.addf %get3A_3, %get3A_8 : vector<2000x1xf32>
    %max3A = arith.constant 1.000000e+00 : f32
    %max3A_9 = vector.broadcast %max3A : f32 to vector<2000x1xf32>
    %max3A_10 = arith.maximumf %add3A, %max3A_9 : vector<2000x1xf32>
    %rsqrt3A = math.rsqrt %max3A_10 : vector<2000x1xf32>
    %swap3A = arith.constant 0 : index
    %swap3A_11 = arith.constant 0 : index
    %swap3A_12 = vector.load %arg4[%swap3A, %swap3A_11] : memref<2000x1xf32, #tpu.memory_space<vmem>>, vector<2000x1xf32>
    tpu.vector_store %arg4[%swap3A, %swap3A_11], %rsqrt3A {strides = array<i32>} : memref<2000x1xf32, #tpu.memory_space<vmem>>, vector<2000x1xf32>,
    %get3A_13 = arith.constant 0 : index
    %get3A_14 = arith.constant 0 : index
    %get3A_15 = vector.load %arg1[%get3A_13, %get3A_14] : memref<2000x128xf32, #tpu.memory_space<vmem>>, vector<2000x128xf32>
    %mul3A = vector.broadcast %rsqrt3A : vector<2000x1xf32> to vector<2000x128xf32>
    %mul3A_16 = arith.mulf %get3A_15, %mul3A : vector<2000x128xf32>
    %swap3A_17 = arith.constant 0 : index
    %swap3A_18 = arith.constant 0 : index
    %swap3A_19 = vector.load %arg3[%swap3A_17, %swap3A_18] : memref<2000x128xf32, #tpu.memory_space<vmem>>, vector<2000x128xf32>
    tpu.vector_store %arg3[%swap3A_17, %swap3A_18], %mul3A_16 {strides = array<i32>} : memref<2000x128xf32, #tpu.memory_space<vmem>>, vector<2000x128xf32>,
    return
  }
  func.func @transform_0(%arg0: i32) -> (i32, i32) {
    %c0_i32 = arith.constant 0 : i32
    %c0_i32_0 = arith.constant 0 : i32
    return %arg0, %c0_i32 : i32, i32
  }
  func.func @transform_1(%arg0: i32) -> (i32, i32, i32) {
    %c0_i32 = arith.constant 0 : i32
    %c0_i32_0 = arith.constant 0 : i32
    %c0_i32_1 = arith.constant 0 : i32
    return %c0_i32, %arg0, %c0_i32_0 : i32, i32, i32
  }
  func.func @transform_2(%arg0: i32) -> (i32, i32) {
    %c0_i32 = arith.constant 0 : i32
    %c0_i32_0 = arith.constant 0 : i32
    return %arg0, %c0_i32 : i32, i32
  }
  func.func @transform_3(%arg0: i32) -> (i32, i32) {
    %c0_i32 = arith.constant 0 : i32
    %c0_i32_0 = arith.constant 0 : i32
    return %arg0, %c0_i32 : i32, i32
  }
}

module attributes {stable_mosaic.version = 14 : i64} {
  func.func @_x1_body(%arg0: i32, %arg1: memref<2x2000x128xf32, #tpu.memory_space<vmem>>, %arg2: memref<2000x1xf32, #tpu.memory_space<vmem>>, %arg3: memref<2000x128xf32, #tpu.memory_space<vmem>>, %arg4: memref<2000x128xf32, #tpu.memory_space<vmem>>) attributes {dimension_semantics = [#tpu.dimension_semantics<arbitrary>], iteration_bounds = array<i64: 5>, scalar_prefetch = 0 : i64, scratch_operands = 0 : i64, tpu.core_type = #tpu.core_type<tc>, window_params = [{transform_indices = @transform_0, window_bounds = array<i64: 2, 2000, 128>}, {transform_indices = @transform_1, window_bounds = array<i64: 2000, 1>}, {transform_indices = @transform_2, window_bounds = array<i64: 2000, 128>}, {transform_indices = @transform_3, window_bounds = array<i64: 2000, 128>}]} {
    %get3A = arith.constant 0 : index
    %get3A_0 = arith.constant 0 : index
    %get3A_1 = vector.load %arg2[%get3A, %get3A_0] : memref<2000x1xf32, #tpu.memory_space<vmem>>, vector<2000x1xf32>
    %get3A_2 = arith.constant 0 : index
    %get3A_3 = arith.constant 0 : index
    %get3A_4 = arith.constant 0 : index
    %get3A_5 = vector.load %arg1[%get3A_2, %get3A_3, %get3A_4] : memref<2x2000x128xf32, #tpu.memory_space<vmem>>, vector<1x2000x128xf32>
    %get3A_6 = vector.shape_cast %get3A_5 : vector<1x2000x128xf32> to vector<2000x128xf32>
    %get3A_7 = arith.constant 1 : index
    %get3A_8 = arith.constant 0 : index
    %get3A_9 = arith.constant 0 : index
    %get3A_10 = vector.load %arg1[%get3A_7, %get3A_8, %get3A_9] : memref<2x2000x128xf32, #tpu.memory_space<vmem>>, vector<1x2000x128xf32>
    %get3A_11 = vector.shape_cast %get3A_10 : vector<1x2000x128xf32> to vector<2000x128xf32>
    %add3A = arith.addf %get3A_6, %get3A_11 : vector<2000x128xf32>
    %neg3A = arith.constant 0.000000e+00 : f32
    %neg3A_12 = vector.broadcast %neg3A : f32 to vector<2000x128xf32>
    %neg3A_13 = arith.subf %neg3A_12, %add3A : vector<2000x128xf32>
    %mul3A = vector.broadcast %get3A_1 : vector<2000x1xf32> to vector<2000x128xf32>
    %mul3A_14 = arith.mulf %neg3A_13, %mul3A : vector<2000x128xf32>
    %swap3A = arith.constant 0 : index
    %swap3A_15 = arith.constant 0 : index
    %swap3A_16 = vector.load %arg3[%swap3A, %swap3A_15] : memref<2000x128xf32, #tpu.memory_space<vmem>>, vector<2000x128xf32>
    tpu.vector_store %arg3[%swap3A, %swap3A_15], %mul3A_14 {strides = array<i32>} : memref<2000x128xf32, #tpu.memory_space<vmem>>, vector<2000x128xf32>,
    %mul3A_17 = vector.broadcast %get3A_1 : vector<2000x1xf32> to vector<2000x128xf32>
    %mul3A_18 = arith.mulf %mul3A_14, %mul3A_17 : vector<2000x128xf32>
    %swap3A_19 = arith.constant 0 : index
    %swap3A_20 = arith.constant 0 : index
    %swap3A_21 = vector.load %arg4[%swap3A_19, %swap3A_20] : memref<2000x128xf32, #tpu.memory_space<vmem>>, vector<2000x128xf32>
    tpu.vector_store %arg4[%swap3A_19, %swap3A_20], %mul3A_18 {strides = array<i32>} : memref<2000x128xf32, #tpu.memory_space<vmem>>, vector<2000x128xf32>,
    return
  }
  func.func @transform_0(%arg0: i32) -> (i32, i32, i32) {
    %c0_i32 = arith.constant 0 : i32
    %c0_i32_0 = arith.constant 0 : i32
    %c0_i32_1 = arith.constant 0 : i32
    return %c0_i32, %arg0, %c0_i32_0 : i32, i32, i32
  }
  func.func @transform_1(%arg0: i32) -> (i32, i32) {
    %c0_i32 = arith.constant 0 : i32
    %c0_i32_0 = arith.constant 0 : i32
    return %arg0, %c0_i32 : i32, i32
  }
  func.func @transform_2(%arg0: i32) -> (i32, i32) {
    %c0_i32 = arith.constant 0 : i32
    %c0_i32_0 = arith.constant 0 : i32
    return %arg0, %c0_i32 : i32, i32
  }
  func.func @transform_3(%arg0: i32) -> (i32, i32) {
    %c0_i32 = arith.constant 0 : i32
    %c0_i32_0 = arith.constant 0 : i32
    return %arg0, %c0_i32 : i32, i32
  }
}

module attributes {stable_mosaic.version = 14 : i64} {
  func.func @_final_body(%arg0: i32, %arg1: memref<2000x128xf32, #tpu.memory_space<vmem>>, %arg2: memref<2000x128xf32, #tpu.memory_space<vmem>>, %arg3: memref<2x2000x128xf32, #tpu.memory_space<vmem>>, %arg4: memref<2000x1xf32, #tpu.memory_space<vmem>>, %arg5: memref<2000x384xf32, #tpu.memory_space<vmem>>) attributes {dimension_semantics = [#tpu.dimension_semantics<arbitrary>], iteration_bounds = array<i64: 5>, scalar_prefetch = 0 : i64, scratch_operands = 0 : i64, tpu.core_type = #tpu.core_type<tc>, window_params = [{transform_indices = @transform_0, window_bounds = array<i64: 2000, 128>}, {transform_indices = @transform_1, window_bounds = array<i64: 2000, 128>}, {transform_indices = @transform_2, window_bounds = array<i64: 2, 2000, 128>}, {transform_indices = @transform_3, window_bounds = array<i64: 2000, 1>}, {transform_indices = @transform_4, window_bounds = array<i64: 2000, 384>}]} {
    %get3A = arith.constant 0 : index
    %get3A_0 = arith.constant 0 : index
    %get3A_1 = vector.load %arg1[%get3A, %get3A_0] : memref<2000x128xf32, #tpu.memory_space<vmem>>, vector<2000x128xf32>
    %get3A_2 = arith.constant 0 : index
    %get3A_3 = arith.constant 0 : index
    %get3A_4 = arith.constant 0 : index
    %get3A_5 = vector.load %arg3[%get3A_2, %get3A_3, %get3A_4] : memref<2x2000x128xf32, #tpu.memory_space<vmem>>, vector<1x2000x128xf32>
    %get3A_6 = vector.shape_cast %get3A_5 : vector<1x2000x128xf32> to vector<2000x128xf32>
    %get3A_7 = arith.constant 1 : index
    %get3A_8 = arith.constant 0 : index
    %get3A_9 = arith.constant 0 : index
    %get3A_10 = vector.load %arg3[%get3A_7, %get3A_8, %get3A_9] : memref<2x2000x128xf32, #tpu.memory_space<vmem>>, vector<1x2000x128xf32>
    %get3A_11 = vector.shape_cast %get3A_10 : vector<1x2000x128xf32> to vector<2000x128xf32>
    %add3A = arith.addf %get3A_6, %get3A_11 : vector<2000x128xf32>
    %mul3A = arith.constant -2.000000e+00 : f32
    %mul3A_12 = vector.broadcast %mul3A : f32 to vector<2000x128xf32>
    %mul3A_13 = arith.mulf %mul3A_12, %add3A : vector<2000x128xf32>
    %get3A_14 = arith.constant 0 : index
    %get3A_15 = arith.constant 0 : index
    %get3A_16 = vector.load %arg4[%get3A_14, %get3A_15] : memref<2000x1xf32, #tpu.memory_space<vmem>>, vector<2000x1xf32>
    %mul3A_17 = vector.broadcast %get3A_16 : vector<2000x1xf32> to vector<2000x128xf32>
    %mul3A_18 = arith.mulf %mul3A_13, %mul3A_17 : vector<2000x128xf32>
    %sub3A = arith.subf %mul3A_18, %get3A_1 : vector<2000x128xf32>
    %max3A = arith.constant 0.000000e+00 : f32
    %max3A_19 = vector.broadcast %max3A : f32 to vector<2000x128xf32>
    %max3A_20 = arith.maximumf %get3A_1, %max3A_19 : vector<2000x128xf32>
    %swap3A = arith.constant 0 : index
    %swap3A_21 = arith.constant 0 : index
    %swap3A_22 = vector.load %arg5[%swap3A, %swap3A_21] : memref<2000x384xf32, #tpu.memory_space<vmem>>, vector<2000x128xf32>
    tpu.vector_store %arg5[%swap3A, %swap3A_21], %max3A_20 {strides = array<i32>} : memref<2000x384xf32, #tpu.memory_space<vmem>>, vector<2000x128xf32>,
    %get3A_23 = arith.constant 0 : index
    %get3A_24 = arith.constant 0 : index
    %get3A_25 = vector.load %arg2[%get3A_23, %get3A_24] : memref<2000x128xf32, #tpu.memory_space<vmem>>, vector<2000x128xf32>
    %max3A_26 = arith.constant 0.000000e+00 : f32
    %max3A_27 = vector.broadcast %max3A_26 : f32 to vector<2000x128xf32>
    %max3A_28 = arith.maximumf %get3A_25, %max3A_27 : vector<2000x128xf32>
    %swap3A_29 = arith.constant 0 : index
    %swap3A_30 = arith.constant 128 : index
    %swap3A_31 = vector.load %arg5[%swap3A_29, %swap3A_30] : memref<2000x384xf32, #tpu.memory_space<vmem>>, vector<2000x128xf32>
    tpu.vector_store %arg5[%swap3A_29, %swap3A_30], %max3A_28 {strides = array<i32>} : memref<2000x384xf32, #tpu.memory_space<vmem>>, vector<2000x128xf32>,
    %max3A_32 = arith.constant 0.000000e+00 : f32
    %max3A_33 = vector.broadcast %max3A_32 : f32 to vector<2000x128xf32>
    %max3A_34 = arith.maximumf %sub3A, %max3A_33 : vector<2000x128xf32>
    %swap3A_35 = arith.constant 0 : index
    %swap3A_36 = arith.constant 256 : index
    %swap3A_37 = vector.load %arg5[%swap3A_35, %swap3A_36] : memref<2000x384xf32, #tpu.memory_space<vmem>>, vector<2000x128xf32>
    tpu.vector_store %arg5[%swap3A_35, %swap3A_36], %max3A_34 {strides = array<i32>} : memref<2000x384xf32, #tpu.memory_space<vmem>>, vector<2000x128xf32>,
    return
  }
  func.func @transform_0(%arg0: i32) -> (i32, i32) {
    %c0_i32 = arith.constant 0 : i32
    %c0_i32_0 = arith.constant 0 : i32
    return %arg0, %c0_i32 : i32, i32
  }
  func.func @transform_1(%arg0: i32) -> (i32, i32) {
    %c0_i32 = arith.constant 0 : i32
    %c0_i32_0 = arith.constant 0 : i32
    return %arg0, %c0_i32 : i32, i32
  }
  func.func @transform_2(%arg0: i32) -> (i32, i32, i32) {
    %c0_i32 = arith.constant 0 : i32
    %c0_i32_0 = arith.constant 0 : i32
    %c0_i32_1 = arith.constant 0 : i32
    return %c0_i32, %arg0, %c0_i32_0 : i32, i32, i32
  }
  func.func @transform_3(%arg0: i32) -> (i32, i32) {
    %c0_i32 = arith.constant 0 : i32
    %c0_i32_0 = arith.constant 0 : i32
    return %arg0, %c0_i32 : i32, i32
  }
  func.func @transform_4(%arg0: i32) -> (i32, i32) {
    %c0_i32 = arith.constant 0 : i32
    %c0_i32_0 = arith.constant 0 : i32
    return %arg0, %c0_i32 : i32, i32
  }
}

</mosaic_0001>

<sc_bundles>
// kernel: kernel.11.cloned.1.call-start
scs
__scs_entry_jumppad:
0x0: {  	(pc) =	sbr.rel $0x88, $3  }
0x1: {  	(tag) =	ssettag $0x0;
	lr =	simm.s32 $0x1  }
0x2: {  	[smem:$0x3F9F] =	sst lr;
	_ =	strace $0xD0000000  }
0x3: {  	_ = 	snop  }
0x4: {  	_ = 	snop  }
0x5: {  	_ = 	snop  }
0x6: {  	_ = 	snop  }
0x7: {  	_ = 	snop  }
__scs_overlays_trampoline_lowered:
0x8: {  	[smem:$0x3FAE] =	sst s0  }
0x9: {  	[smem:$0x3FAF] =	sst s1  }
0xa: {  	[smem:$0x3FB0] =	sst s2  }
0xb: {  	[smem:$0x3FB1] =	sst s3  }
0xc: {  	[smem:$0x3FB2] =	sst s4  }
0xd: {  	[smem:$0x3FB3] =	sst s5  }
0xe: {  	[smem:$0x3FB4] =	sst s6  }
0xf: {  	[smem:$0x3FB5] =	sst s7  }
0x10: {  	[smem:$0x3FB6] =	sst s8  }
0x11: {  	[smem:$0x3FB7] =	sst s9;
	s0 =	simm.s32 @!p0 $0x0  }
0x12: {  	s1 =	sld [smem:$0x3F9D];
	s0 =	simm.s32 @p0 $0x1  }
0x13: {  	[smem:$0x3FB8] =	sst s0;
	s0 =	simm.s32 @!p1 $0x0  }
0x14: {  	s2 =	sld [smem:$0x3F9C];
	s0 =	simm.s32 @p1 $0x1  }
0x15: {  	[smem:$0x3FB9] =	sst s0;
	s0 =	simm.s32 @!p2 $0x0  }
0x16: {  	s3 =	sld [smem:$0x3FDB];
	s0 =	simm.s32 @p2 $0x1  }
0x17: {  	s4 =	simm.s32 $0x1BF5;
	[smem:$0x3FBB] =	sst s0  }
0x18: {  	s0 =	sld [smem:$0x3F9E];
	_ =	swait.ge [sflag:s4], $0x0  }
0x19: {  	s7 =	sld [smem:$0x3F9F]  }
0x1a: {  	s8 =	sadd.s32 $0xFFFFE003, lr  }
0x1b: {  	s9 =	sadd.s32 $0xFFFFFEF7, lr;
	s5 =	simm.s32 $0xFFFFFFFF;
	p2 =	slt.u32 s8, $0xFFFFF086  }
0x1c: {  	p1 =	slt.u32 s9, $0xF7A;
	s5 =	simm.s32 @!p2 $0x0  }
0x1d: {  	s5 =	simm.s32 @p1 $0x1;
	p0 =	seq.s32 s7, s2  }
0x1e: {  	s7 =	smul.u32 @!p0 $0xF7A, s2;
	p2 =	seq.s32 @!p0 s5, $0x0  }
0x1f: {  	s9 =	smul.u32 $0xF7A, s1;
	s8 =	simm.s32 @!p0 $0x1BF5;
	p2 =	por !p2, p0  }
0x20: {  	[sflag:s8] =	ssyncset.s32 @!p0 $0xFFFFF086;
	s6 =	sadd.s32 @!p0 s3, s7;
	s7 =	simm.s32 @!p0 $0x108  }
0x21: {  	s3 =	sadd.s32 s3, s9;
	s6 =	sadd.s32 @!p0 $0x88, s6;
	s7 =	simm.s32 @p2 $0x1082  }
0x22: {  	[simem:s7], [sflag:s8] =	dma.local @!p0 [hbm:s6], $0xF7A  }
0x23: {  	s9 =	sor.u32 $0xD0000000, s2;
	s6 =	simm.s32 $0x108;
	_ =	swait.ge @!p0 [sflag:s8], $0x0  }
0x24: {  	s3 =	sadd.s32 $0x88, s3;
	s6 =	simm.s32 @!p1 $0x1082;
	[sflag:s4] =	ssyncset.s32 $0xFFFFF086  }
0x25: {  	[simem:s6], [sflag:s4] =	dma.local [hbm:s3], $0xF7A  }
0x26: {  	[smem:$0x3F9F] =	sst s1;
	(tag) =	ssettag s2;
	_ =	strace s9  }
0x27: {  	s1 =	sld [smem:$0x3FAF]  }
0x28: {  	s2 =	sld [smem:$0x3FB0]  }
0x29: {  	s4 =	sld [smem:$0x3FB2]  }
0x2a: {  	p0 =	seq.s32 s5, $0x0;
	s5 =	sld [smem:$0x3FB3]  }
0x2b: {  	s6 =	sld [smem:$0x3FB4]  }
0x2c: {  	s7 =	sld [smem:$0x3FB5]  }
0x2d: {  	s3 =	simm.s32 $0x108;
	s8 =	sld [smem:$0x3FB6]  }
0x2e: {  	s3 =	simm.s32 @!p0 $0x1082;
	s9 =	sld [smem:$0x3FB7]  }
0x2f: {  	lr =	sadd.s32 s0, s3;
	s0 =	sld [smem:$0x3FAE]  }
0x30: {  	s3 =	sld [smem:$0x3FB1]  }
0x31: {  	[smem:$0x3FBA] =	sst s10  }
0x32: {  	s10 =	sld [smem:$0x3FB8];
	_ =	sdelay $0x3  }
0x33: {  	p0 =	seq.s32 s10, $0x1;
	s10 =	sld [smem:$0x3FBA];
	_ =	sdelay $0x3  }
0x34: {  	[smem:$0x3FBA] =	sst s10  }
0x35: {  	s10 =	sld [smem:$0x3FB9];
	_ =	sdelay $0x3  }
0x36: {  	p1 =	seq.s32 s10, $0x1;
	s10 =	sld [smem:$0x3FBA];
	_ =	sdelay $0x3  }
0x37: {  	[smem:$0x3FBA] =	sst s10  }
0x38: {  	s10 =	sld [smem:$0x3FBB]  }
0x39: {  	_ = 	snop;
	(pc) =	sbr.ind lr, $3  }
0x3a: {  	_ = 	snop  }
0x3b: {  	_ = 	snop  }
0x3c: {  	p2 =	seq.s32 s10, $0x1;
	s10 =	sld [smem:$0x3FBA]  }
0x3d: {  	_ =	shalt  }
0x3e: {  	_ =	shalt  }
0x3f: {  	_ =	shalt  }
0x40: {  	_ =	shalt  }
0x41: {  	_ =	shalt  }
0x42: {  	_ =	shalt  }
0x43: {  	_ =	shalt  }
0x44: {  	_ =	shalt  }
0x45: {  	_ =	shalt  }
0x46: {  	_ =	shalt  }
0x47: {  	_ =	shalt  }
0x48: {  	_ =	shalt  }
0x49: {  	_ =	shalt  }
0x4a: {  	_ =	shalt  }
0x4b: {  	_ =	shalt  }
0x4c: {  	_ =	shalt  }
0x4d: {  	_ =	shalt  }
0x4e: {  	_ =	shalt  }
0x4f: {  	_ =	shalt  }
0x50: {  	_ =	shalt  }
0x51: {  	_ =	shalt  }
0x52: {  	_ =	shalt  }
0x53: {  	_ =	shalt  }
0x54: {  	_ =	shalt  }
0x55: {  	_ =	shalt  }
0x56: {  	_ =	shalt  }
0x57: {  	_ =	shalt  }
0x58: {  	_ =	shalt  }
0x59: {  	_ =	shalt  }
0x5a: {  	_ =	shalt  }
0x5b: {  	_ =	shalt  }
0x5c: {  	_ =	shalt  }
0x5d: {  	_ =	shalt  }
0x5e: {  	_ =	shalt  }
0x5f: {  	_ =	shalt  }
0x60: {  	_ =	shalt  }
0x61: {  	_ =	shalt  }
0x62: {  	_ =	shalt  }
0x63: {  	_ =	shalt  }
0x64: {  	_ =	shalt  }
0x65: {  	_ =	shalt  }
0x66: {  	_ =	shalt  }
0x67: {  	_ =	shalt  }
0x68: {  	_ =	shalt  }
0x69: {  	_ =	shalt  }
0x6a: {  	_ =	shalt  }
0x6b: {  	_ =	shalt  }
0x6c: {  	_ =	shalt  }
0x6d: {  	_ =	shalt  }
0x6e: {  	_ =	shalt  }
0x6f: {  	_ =	shalt  }
0x70: {  	_ =	shalt  }
0x71: {  	_ =	shalt  }
0x72: {  	_ =	shalt  }
0x73: {  	_ =	shalt  }
0x74: {  	_ =	shalt  }
0x75: {  	_ =	shalt  }
0x76: {  	_ =	shalt  }
0x77: {  	_ =	shalt  }
0x78: {  	_ =	shalt  }
0x79: {  	_ =	shalt  }
0x7a: {  	_ =	shalt  }
0x7b: {  	_ =	shalt  }
0x7c: {  	_ =	shalt  }
0x7d: {  	_ =	shalt  }
0x7e: {  	_ =	shalt  }
0x7f: {  	_ =	shalt  }
0x80: {  	_ =	shalt  }
0x81: {  	_ =	shalt  }
0x82: {  	_ =	shalt  }
0x83: {  	_ =	shalt  }
0x84: {  	_ =	shalt  }
0x85: {  	_ =	shalt  }
0x86: {  	_ =	shalt  }
0x87: {  	_ =	shalt  }
.Lfunc_end0:
.L_simem_size_0:
called_computation.1_lowered:
.L_overlay_start_0:
0x88: {  	s2 =	sld [smem:$0x3FD9]  }
0x89: {  	s3 =	sld [smem:$0x3FFE];
	_ =	sdelay $0x1  }
0x8a: {  	s1 =	srdreg.scid  }
0x8b: {  	s0 =	sand.u32 $0x1, s1  }
0x8c: {  	s17 =	sshll.u32 s0, $0xA;
	s2 =	sadd.s32 s3, s2  }
0x8d: {  	s2 =	sadd.s32 s2, s17  }
0x8e: {  	[smem:$0x3FC6] =	sst s2  }
0x8f: {  	_ = 	snop  }
0x90: {  	s2 =	sld [smem:$0x3FD0];
	(tm) =	ssettm $0x1  }
0x91: {  	s18 =	sld [smem:$0x3FFB];
	_ =	sdelay $0x3  }
0x92: {  	_ =	strace s18  }
0x93: {  	s3 =	sld [smem:$0x3FFC];
	_ =	sdelay $0x3  }
0x94: {  	_ =	strace s3  }
0x95: {  	s3 =	sld [smem:$0x3FFD];
	_ =	sdelay $0x3  }
0x96: {  	_ =	strace s3  }
0x97: {  	_ =	strace $0x8FFFFFFF  }
0x98: {  	s19 =	sld [smem:$0x3FDB];
	_ =	sdelay $0x1  }
0x99: {  	s4 =	simm.s32 $_scs_section_size  }
0x9a: {  	s5 =	simm.s32 $_size__tile_overlayer_lowered;
	s6 =	simm.s32 $_tile_overlayer_lowered  }
0x9b: {  	s22 =	simm.s32 $0x1BFF;
	s21 =	sshll.u32 s6, $0x1;
	s3 =	sadd.s32 s4, s19  }
0x9c: {  	s7 =	simm.s32 $0x0;
	s20 =	sshll.u32 s5, $0x1;
	s5 =	sadd.s32 s21, s3  }
0x9d: {  	[timem:s7], [sflag:s22] =	dma.local [hbm:s5], s20  }
0x9e: {  	_ =	swait.ge [sflag:s22], s20  }
0x9f: {  	s4 =	ssub.s32 $0x0, s20;
	[sflag:s22] =	ssyncset.done $0x0  }
0xa0: {  	[sflag:s22] =	ssyncadd.s32 s4;
	_ =	sdelay $0x1  }
0xa1: {  	s23 =	simm.s32 $0x1B8B  }
0xa2: {  	_ =	swait.ge [sflag:s23], $0x1  }
0xa3: {  	[sflag:s23] =	ssyncset.done $0x0  }
0xa4: {  	s25 =	simm.s32 $0x1B8E;
	s24 =	sld [smem:$0x3FFE];
	[sflag:s23] =	ssyncadd.s32 $0xFFFFFFFF  }
0xa5: {  	s26 =	simm.s32 $execute0_lowered;
	[smem:$0x3FD2] =	sst s25  }
0xa6: {  	s5 =	sshll.u32 s26, $0x1;
	_ =	strace $0x80000049;
	[dreg:$0x1] =	wrdreg $0xFFFFFFFF  }
0xa7: {  	s28 =	simm.s32 $_size_execute0_lowered;
	s3 =	sadd.s32 s3, s5;
	[dreg:$0x0] =	wrdreg $0x0  }
0xa8: {  	s5 =	sshll.u32 s28, $0x1;
	[dreg:$0x2] =	wrdreg s3  }
0xa9: {  	[dreg:$0x3] =	wrdreg s5  }
0xaa: {  	[dreg:$0x4] =	wrdreg $0xC0  }
0xab: {  	_ =	task [dreg:s7], $0x5FFFF  }
0xac: {  	[dreg:$0x1] =	wrdreg $0xFFFFFFFF  }
0xad: {  	[dreg:$0x0] =	wrdreg $0x60  }
0xae: {  	[dreg:$0x2] =	wrdreg s24  }
0xaf: {  	[dreg:$0x3] =	wrdreg s2  }
0xb0: {  	[dreg:$0x4] =	wrdreg $0x88000  }
0xb1: {  	[dreg:$0x5] =	wrdreg $0x9  }
0xb2: {  	_ =	task.clear_ibuf [dreg:s7], $0x6FFFF;
	_ =	strace $0x90000049  }
0xb3: {  	s29 =	simm.s32 $0x9;
	_ =	strace $0x8000004B  }
0xb4: {  	_ =	swait.ge [sflag:s29], $0x1  }
0xb5: {  	[sflag:s29] =	ssyncadd.s32 $0xFFFFFFFF  }
0xb6: {  	_ =	strace $0x9000004B  }
0xb7: {  	_ =	sfence  }
0xb8: {  	s30 =	sld [smem:$0x0];
	_ =	sdelay $0x2  }
0xb9: {  	s31 =	sshll.u32 s1, $0xD;
	s1 =	sshrl.u32 s1, $0x2  }
0xba: {  	s3 =	sand.u32 $0x4000, s31;
	s1 =	sadd.s32 s1, s30  }
0xbb: {  	s0 =	sor.u32 s3, s0;
	s1 =	sshll.u32 s1, $0x11  }
0xbc: {  	s0 =	sor.u32 s1, s0  }
0xbd: {  	s0 =	sadd.s32 $0x8F2B, s0  }
0xbe: {  	[sflag:s0] =	ssyncadd.remote.s32 $0x1  }
0xbf: {  	_ =	sfence.sel $0xFFFF  }
0xc0: {  	[dreg:$0x0] =	wrdreg $0xFFFFFFFF;
	(pc) =	sbr.abs _section_cstart, $3  }
0xc1: {  	[dreg:$0x1] =	wrdreg $0xFFFFFFFF  }
0xc2: {  	_ =	task.clear_ibuf [dreg:s7], $0x2FFFF;
	_ =	strace $0x9FFFFFFF  }
0xc3: {  	(tm) =	ssettm $0x7FFFFFFF  }
tec
execute0_lowered:
.L_overlay_start_1:
0x0: {  	(tag) =	ssettag $0x1  }
0x1: {  	s0 =	rddreg [dreg:$0x0]  }
0x2: {  	s2 =	rddreg [dreg:$0x1]  }
0x3: {  	s1 =	rddreg [dreg:$0x2]  }
0x4: {  	s3 =	simm.s32 $0x0;
	s4 =	srdreg.scid;
	s15 =	stileid.u32  }
0x5: {  	s28 =	simm.s32 $0x80;
	s29 =	simm.s32 $0x800;
	s31 =	simm.s32 $0x4800  }
0x6: {  	s30 =	simm.s32 $0x3;
	[smem:$0x7FF] =	sst s3;
	s7 =	smul.u32 $0x280, s15  }
0x7: {  	s4 =	sand.u32 $0x1, s4;
	s6 =	sshll.u32 s15, $0x1;
	s9 =	smul.u32 $0x14000, s15  }
0x8: {  	s10 =	sadd.s32 $0x3DC00, s0;
	s11 =	smul.u32 $0x50000, s15;
	_ =	strace $0x8000004A  }
0x9: {  	s5 =	ssub.s32 $0x2, s4;
	s6 =	sor.u32 s4, s6;
	s25 =	smul.u32 $0x140000, s4  }
0xa: {  	s4 =	smul.u32 $0x5000, s4;
	s8 =	sshrl.u32 s5, $0x1;
	s12 =	sshrl.u32 s9, $0x3  }
0xb: {  	s13 =	sadd.s32 $0x80, s7;
	s14 =	sadd.s32 $0x100, s7;
	s23 =	sadd.s32 $0x180, s7  }
0xc: {  	s7 =	sadd.s32 $0x200, s7;
	s5 =	ssub.s32 s5, s8;
	s8 =	smul.u32 $0xA00, s6  }
0xd: {  	s12 =	sadd.s32 s10, s12;
	s21 =	sshll.u32 s13, $0x4;
	s18 =	sshll.u32 s13, $0x7  }
0xe: {  	s22 =	sshll.u32 s14, $0x4;
	s19 =	sshll.u32 s14, $0x7;
	s24 =	sshll.u32 s23, $0x4  }
0xf: {  	s26 =	sshll.u32 s7, $0x4;
	s7 =	sshll.u32 s7, $0x7;
	s9 =	sadd.s32 s9, s25  }
0x10: {  	s14 =	sadd.s32 $0x16A00, s0;
	s0 =	sadd.s32 $0x2A00, s0;
	[dreg:$0x4] =	wrdreg s12  }
0x11: {  	s12 =	sadd.s32 s10, s21;
	s13 =	sadd.s32 s10, s24;
	s9 =	sshrl.u32 s9, $0x3  }
0x12: {  	s16 =	sadd.s32 s25, s19;
	s19 =	sadd.s32 s19, s1;
	[dreg:$0x5] =	wrdreg s12  }
0x13: {  	s12 =	sadd.s32 s10, s22;
	[dreg:$0x7] =	wrdreg s13;
	s10 =	sadd.s32 s10, s26  }
0x14: {  	s13 =	sadd.s32 s25, s18;
	s9 =	sadd.s32 s2, s9;
	s20 =	sshrl.u32 s16, $0x3  }
0x15: {  	s16 =	smul.u32 $0xA000, s15;
	s15 =	sadd.s32 s0, s8;
	[dreg:$0x6] =	wrdreg s12  }
0x16: {  	s26 =	smul.u32 $0x5000, s6;
	s18 =	sadd.s32 s18, s1;
	[dreg:$0x8] =	wrdreg s10  }
0x17: {  	s12 =	sshll.u32 s23, $0x7;
	[dreg:$0x9] =	wrdreg s9;
	s17 =	sshrl.u32 s13, $0x3  }
0x18: {  	s21 =	sadd.s32 s2, s20;
	s23 =	sadd.s32 s25, s7;
	s8 =	sadd.s32 $0x40, s15  }
0x19: {  	s9 =	sadd.s32 s2, s17;
	[dreg:$0xb] =	wrdreg s21;
	s22 =	sadd.s32 s25, s12  }
0x1a: {  	s24 =	sshrl.u32 s23, $0x3;
	s25 =	sshrl.u32 s11, $0x2;
	[dreg:$0xe] =	wrdreg s8  }
0x1b: {  	s4 =	sadd.s32 s4, s16;
	[dreg:$0xa] =	wrdreg s9;
	s9 =	sshrl.u32 s22, $0x3  }
0x1c: {  	s20 =	sadd.s32 s12, s1;
	s21 =	sadd.s32 s7, s1;
	s9 =	sadd.s32 s2, s9  }
0x1d: {  	s4 =	sor.u32 $0x600, s4;
	s2 =	sadd.s32 s2, s24;
	[dreg:$0xc] =	wrdreg s9  }
0x1e: {  	s22 =	smax.u32 s5, $0x1;
	[dreg:$0xd] =	wrdreg s2;
	s2 =	sadd.s32 s25, s1  }
0x1f: {  	s4 =	sshrl.u32 s4, $0x3;
	[dreg:$0xf] =	wrdreg s2;
	s2 =	sshrl.u32 s26, $0x3  }
0x20: {  	s12 =	sadd.s32 s4, s0;
	s25 =	simm.s32 $0x4;
	s2 =	sadd.s32 s2, s0  }
0x21: {  	s26 =	simm.s32 $0x2;
	s0 =	simm.s32 $0x0;
	s23 =	sadd.s32 $0x80, s2  }
.LBB2_1:
0x22: {  	[tilespmem:s3], [sflag:$0x4] =	stream.linear.gather [hbm4b:s15+s3], $0x200, $0x38;
	[tilespmem:$0x1C800] =	vst v63  }
0x23: {  	_ =	swait.ge [sflag:s25], $0x200  }
0x24: {  	s9 =	simm.s32 $0x200;
	[sflag:s25] =	ssyncset.done $0x0  }
0x25: {  	s13 =	stileid.u32;
	s2 =	rddreg [dreg:$0xe];
	[sflag:s25] =	ssyncadd.s32 $0xFFFFFE00  }
0x26: {  	[tilespmem:s9], [sflag:$0x1] =	stream.linear.gather [hbm4b:s2+s3], $0x200, $0x38;
	[tilespmem:$0x1C800] =	vst v63  }
0x27: {  	s4 =	rddreg [dreg:$0xf];
	s2 =	sshll.u32 s13, $0x6  }
0x28: {  	s5 =	rddreg [dreg:$0x4];
	s4 =	sshrl.u32 s4, $0x3;
	s2 =	sor.u32 $0x1C02, s2  }
0x29: {  	[spmem:s4], [sflag:s2] =	dma.local [hbm:s5], $0x800  }
0x2a: {  	s5 =	sshrl.u32 s18, $0x3;
	s6 =	rddreg [dreg:$0x5]  }
0x2b: {  	[spmem:s5], [sflag:s2] =	dma.local [hbm:s6], $0x800  }
0x2c: {  	s6 =	sshrl.u32 s19, $0x3;
	s7 =	rddreg [dreg:$0x6]  }
0x2d: {  	[spmem:s6], [sflag:s2] =	dma.local [hbm:s7], $0x800  }
0x2e: {  	s7 =	sshrl.u32 s20, $0x3;
	s8 =	rddreg [dreg:$0x7]  }
0x2f: {  	[spmem:s7], [sflag:s2] =	dma.local [hbm:s8], $0x800  }
0x30: {  	s8 =	sshrl.u32 s21, $0x3;
	s10 =	rddreg [dreg:$0x8]  }
0x31: {  	[spmem:s8], [sflag:s2] =	dma.local [hbm:s10], $0x800  }
0x32: {  	_ =	swait.ge [sflag:s26], $0x800  }
0x33: {  	[sflag:s26] =	ssyncset.done $0x0  }
0x34: {  	[sflag:s26] =	ssyncadd.s32 $0xFFFFF800  }
0x35: {  	_ =	swait.ge [sflag:s26], $0x800  }
0x36: {  	[sflag:s26] =	ssyncset.done $0x0  }
0x37: {  	[sflag:s26] =	ssyncadd.s32 $0xFFFFF800  }
0x38: {  	_ =	swait.ge [sflag:s26], $0x800  }
0x39: {  	[sflag:s26] =	ssyncset.done $0x0  }
0x3a: {  	[sflag:s26] =	ssyncadd.s32 $0xFFFFF800  }
0x3b: {  	_ =	swait.ge [sflag:s26], $0x800  }
0x3c: {  	[sflag:s26] =	ssyncset.done $0x0  }
0x3d: {  	[sflag:s26] =	ssyncadd.s32 $0xFFFFF800  }
0x3e: {  	_ =	swait.ge [sflag:s26], $0x800  }
0x3f: {  	[sflag:s26] =	ssyncset.done $0x0  }
0x40: {  	[sflag:s26] =	ssyncadd.s32 $0xFFFFF800  }
0x41: {  	[bflag:$0x0] =	sbarrier.arrive $0xFFFF  }
0x42: {  	[tilespmem:s29], [sflag:$0x2] =	stream.indirect.gather [hbm4b:s14+s28], $0x80, s3, s28, $0xb8;
	[tilespmem:$0x1C800] =	vst v63  }
0x43: {  	s16 =	simm.s32 $0x100  }
0x44: {  	[tilespmem:s31], [sflag:$0x2] =	stream.indirect.gather [hbm4b:s14+s28], $0x80, s16, s28, $0xb8;
	[tilespmem:$0x1C800] =	vst v63  }
0x45: {  	s17 =	simm.s32 $0x400  }
0x46: {  	[tilespmem:s17], [sflag:$0x1] =	stream.linear.gather [hbm4b:s23+s3], $0x200, $0x38;
	[tilespmem:$0x1C800] =	vst v63  }
0x47: {  	_ =	swait.ge [sflag:s26], $0x4000  }
0x48: {  	[sflag:s26] =	ssyncset.done $0x0  }
0x49: {  	[sflag:s26] =	ssyncadd.s32 $0xFFFFC000  }
0x4a: {  	[spmem:s1] =	stream.indirect.scatter.add.f32 [tilespmem:s29], [sflag:$0x3], $0x80, s28, s28, $0xb8;
	[tilespmem:$0x1C800] =	vst v63  }
0x4b: {  	_ =	swait.ge [sflag:s26], $0x4000  }
0x4c: {  	[sflag:s26] =	ssyncset.done $0x0  }
0x4d: {  	s24 =	simm.s32 $0x180;
	s10 =	simm.s32 $0x1;
	[sflag:s26] =	ssyncadd.s32 $0xFFFFC000  }
0x4e: {  	[spmem:s1] =	stream.indirect.scatter.add.f32 [tilespmem:s31], [sflag:$0x3], $0x80, s24, s28, $0xb8;
	[tilespmem:$0x1C800] =	vst v63  }
0x4f: {  	_ =	swait.ge [sflag:s10], $0x200  }
0x50: {  	[sflag:s10] =	ssyncset.done $0x0  }
0x51: {  	s11 =	simm.s32 $0x1800;
	s24 =	smov.u32 s12;
	[sflag:s10] =	ssyncadd.s32 $0xFFFFFE00  }
.LBB2_2:
0x52: {  	_ =	swait.ge [sflag:s30], $0x4000  }
0x53: {  	[sflag:s30] =	ssyncset.done $0x0  }
0x54: {  	s13 =	sand.u32 $0x600, s9;
	[sflag:s30] =	ssyncadd.s32 $0xFFFFC000  }
0x55: {  	[tilespmem:s29], [sflag:$0x2] =	stream.indirect.gather [hbm4b:s14+s28], $0x80, s13, s28, $0xb8;
	[tilespmem:$0x1C800] =	vst v63  }
0x56: {  	_ =	swait.ge [sflag:s30], $0x4000  }
0x57: {  	[sflag:s30] =	ssyncset.done $0x0  }
0x58: {  	p0 =	sgt.u32 s10, $0x25;
	s16 =	sor.u32 $0x100, s13;
	[sflag:s30] =	ssyncadd.s32 $0xFFFFC000  }
0x59: {  	[tilespmem:s31], [sflag:$0x2] =	stream.indirect.gather [hbm4b:s14+s28], $0x80, s16, s28, $0xb8;
	[tilespmem:$0x1C800] =	vst v63  }
0x5a: {  	s16 =	sand.u32 @!p0 $0x1800, s11  }
0x5b: {  	s17 =	simm.s32 @!p0 $0x0;
	s16 =	sshrl.u32 @!p0 s16, $0x2  }
0x5c: {  	[tilespmem:s16], [sflag:$0x1] =	stream.linear.gather @!p0 [hbm4b:s24+s17], $0x200, $0x38;
	[tilespmem:$0x1C800] =	vst v63  }
0x5d: {  	_ =	swait.ge [sflag:s26], $0x4000  }
0x5e: {  	[sflag:s26] =	ssyncset.done $0x0  }
0x5f: {  	s17 =	sadd.s32 $0x80, s13;
	p0 =	seq.s32 s11, $0x14800;
	[sflag:s26] =	ssyncadd.s32 $0xFFFFC000  }
0x60: {  	[spmem:s1] =	stream.indirect.scatter.add.f32 [tilespmem:s29], [sflag:$0x3], $0x80, s17, s28, $0xb8;
	[tilespmem:$0x1C800] =	vst v63  }
0x61: {  	s11 =	sadd.s32 @!p0 $0x800, s11;
	_ =	swait.ge [sflag:s26], $0x4000  }
0x62: {  	p1 =	sne.s32 @!p0 s11, $0x15000;
	[sflag:s26] =	ssyncset.done $0x0  }
0x63: {  	s13 =	sadd.s32 $0x180, s13;
	p1 =	por p0, !p1;
	[sflag:s26] =	ssyncadd.s32 $0xFFFFC000  }
0x64: {  	[spmem:s1] =	stream.indirect.scatter.add.f32 [tilespmem:s31], [sflag:$0x3], $0x80, s13, s28, $0xb8;
	[tilespmem:$0x1C800] =	vst v63  }
.Ltmp0:
0x65: {  	_ = 	snop;
	(pc) =	sbr.rel @!p1 .LBB2_2-.Ltmp0, $4  }
0x66: {  	s13 =	simm.s32 @!p0 $0x1  }
0x67: {  	_ =	swait.ge @!p0 [sflag:s13], $0x200  }
0x68: {  	s10 =	sadd.s32 @!p0 $0x1, s10;
	[sflag:s13] =	ssyncset.done @!p0 $0x0  }
0x69: {  	s24 =	sadd.s32 @!p0 $0x40, s24;
	s9 =	sadd.s32 @!p0 $0x200, s9;
	[sflag:s13] =	ssyncadd.s32 @!p0 $0xFFFFFE00  }
0x6a: {  	_ =	swait.ge [sflag:s30], $0x4000  }
0x6b: {  	[sflag:s30] =	ssyncset.done $0x0  }
0x6c: {  	[sflag:s30] =	ssyncadd.s32 $0xFFFFC000  }
0x6d: {  	_ =	swait.ge [sflag:s30], $0x4000  }
0x6e: {  	[sflag:s30] =	ssyncset.done $0x0  }
0x6f: {  	[sflag:s30] =	ssyncadd.s32 $0xFFFFC000  }
0x70: {  	[bflag:$0x0] =	sbarrier.arrive $0xFFFF  }
0x71: {  	s9 =	rddreg [dreg:$0x9]  }
0x72: {  	[hbm:s9], [sflag:s2] =	dma.local [spmem:s4], $0x800  }
0x73: {  	s4 =	rddreg [dreg:$0xa]  }
0x74: {  	[hbm:s4], [sflag:s2] =	dma.local [spmem:s5], $0x800  }
0x75: {  	s4 =	rddreg [dreg:$0xb]  }
0x76: {  	[hbm:s4], [sflag:s2] =	dma.local [spmem:s6], $0x800  }
0x77: {  	s4 =	rddreg [dreg:$0xc]  }
0x78: {  	[hbm:s4], [sflag:s2] =	dma.local [spmem:s7], $0x800  }
0x79: {  	s4 =	rddreg [dreg:$0xd]  }
0x7a: {  	[hbm:s4], [sflag:s2] =	dma.local [spmem:s8], $0x800  }
0x7b: {  	_ =	swait.ge [sflag:s26], $0x800  }
0x7c: {  	[sflag:s26] =	ssyncset.done $0x0  }
0x7d: {  	[sflag:s26] =	ssyncadd.s32 $0xFFFFF800  }
0x7e: {  	_ =	swait.ge [sflag:s26], $0x800  }
0x7f: {  	[sflag:s26] =	ssyncset.done $0x0  }
0x80: {  	[sflag:s26] =	ssyncadd.s32 $0xFFFFF800  }
0x81: {  	_ =	swait.ge [sflag:s26], $0x800  }
0x82: {  	[sflag:s26] =	ssyncset.done $0x0  }
0x83: {  	s0 =	sadd.s32 $0x1, s0;
	[sflag:s26] =	ssyncadd.s32 $0xFFFFF800  }
0x84: {  	p0 =	sne.s32 s0, s22;
	_ =	swait.ge [sflag:s26], $0x800  }
.Ltmp1:
0x85: {  	[sflag:s26] =	ssyncset.done $0x0;
	(pc) =	sbr.rel @p0 .LBB2_1-.Ltmp1, $4  }
0x86: {  	[sflag:s26] =	ssyncadd.s32 $0xFFFFF800  }
0x87: {  	_ =	swait.ge [sflag:s26], $0x800  }
0x88: {  	[sflag:s26] =	ssyncset.done $0x0  }
0x89: {  	[sflag:s26] =	ssyncadd.s32 $0xFFFFF800  }
0x8a: {  	_ =	sfence.sel $0x180000  }
0x8b: {  	[bflag:$0x0] =	sbarrier.arrive $0xFFFF  }
0x8c: {  	_ =	strace $0x9000004A  }
0x8d: {  	s0 =	stileid.u32;
	[bflag:$0x2] =	sbarrier.arrive $0xFFFF  }
0x8e: {  	p0 =	sne.s32 s0, $0x0;
	s0 =	rddreg [dreg:$0x3]  }
0x8f: {  	s0 =	sadd.s32 @!p0 $0x100000, s0  }
0x90: {  	[sflag:s0] =	ssyncadd.tile.s32 @!p0 $0x1;
	_ =	shalt  }
.Lfunc_end2:
_tile_overlayer_lowered:
.L_overlay_start_2:
0x91: {  	(tag) =	ssettag $0x2  }
0x92: {  	s0 =	rddreg [dreg:$0x0];
	s2 =	stileid.u32  }
0x93: {  	s1 =	rddreg [dreg:$0x1];
	p0 =	sne.s32 s2, $0x0  }
0x94: {  	s3 =	rddreg [dreg:$0x2];
	[bflag:$0x3] =	sbarrier.arrive $0xFFFF;
	s2 =	simm.s32 @!p0 $0x1C04  }
0x95: {  	[timem:s3], [sflag:s2] =	dma.local @!p0 [hbm:s0], s1  }
0x96: {  	s0 =	simm.s32 @!p0 $0x4  }
0x97: {  	_ =	swait.ge @!p0 [sflag:s0], s1  }
0x98: {  	s1 =	ssub.s32 @!p0 $0x0, s1;
	[sflag:s0] =	ssyncset.done @!p0 $0x0  }
0x99: {  	[sflag:s0] =	ssyncadd.s32 @!p0 s1  }
0x9a: {  	[bflag:$0x3] =	sbarrier.arrive $0xFFFF  }
0x9b: {  	_ =	shalt  }

// kernel: kernel.14.cloned.1.call-start
scs
__scs_entry_jumppad:
0x0: {  	(pc) =	sbr.rel $0x88, $3  }
0x1: {  	(tag) =	ssettag $0x0;
	lr =	simm.s32 $0x1  }
0x2: {  	[smem:$0x3F9F] =	sst lr;
	_ =	strace $0xD0000000  }
0x3: {  	_ = 	snop  }
0x4: {  	_ = 	snop  }
0x5: {  	_ = 	snop  }
0x6: {  	_ = 	snop  }
0x7: {  	_ = 	snop  }
__scs_overlays_trampoline_lowered:
0x8: {  	[smem:$0x3FAE] =	sst s0  }
0x9: {  	[smem:$0x3FAF] =	sst s1  }
0xa: {  	[smem:$0x3FB0] =	sst s2  }
0xb: {  	[smem:$0x3FB1] =	sst s3  }
0xc: {  	[smem:$0x3FB2] =	sst s4  }
0xd: {  	[smem:$0x3FB3] =	sst s5  }
0xe: {  	[smem:$0x3FB4] =	sst s6  }
0xf: {  	[smem:$0x3FB5] =	sst s7  }
0x10: {  	[smem:$0x3FB6] =	sst s8  }
0x11: {  	[smem:$0x3FB7] =	sst s9;
	s0 =	simm.s32 @!p0 $0x0  }
0x12: {  	s1 =	sld [smem:$0x3F9D];
	s0 =	simm.s32 @p0 $0x1  }
0x13: {  	[smem:$0x3FB8] =	sst s0;
	s0 =	simm.s32 @!p1 $0x0  }
0x14: {  	s2 =	sld [smem:$0x3F9C];
	s0 =	simm.s32 @p1 $0x1  }
0x15: {  	[smem:$0x3FB9] =	sst s0;
	s0 =	simm.s32 @!p2 $0x0  }
0x16: {  	s3 =	sld [smem:$0x3FDB];
	s0 =	simm.s32 @p2 $0x1  }
0x17: {  	s4 =	simm.s32 $0x1BF5;
	[smem:$0x3FBB] =	sst s0  }
0x18: {  	s0 =	sld [smem:$0x3F9E];
	_ =	swait.ge [sflag:s4], $0x0  }
0x19: {  	s7 =	sld [smem:$0x3F9F]  }
0x1a: {  	s8 =	sadd.s32 $0xFFFFE003, lr  }
0x1b: {  	s9 =	sadd.s32 $0xFFFFFEF7, lr;
	s5 =	simm.s32 $0xFFFFFFFF;
	p2 =	slt.u32 s8, $0xFFFFF086  }
0x1c: {  	p1 =	slt.u32 s9, $0xF7A;
	s5 =	simm.s32 @!p2 $0x0  }
0x1d: {  	s5 =	simm.s32 @p1 $0x1;
	p0 =	seq.s32 s7, s2  }
0x1e: {  	s7 =	smul.u32 @!p0 $0xF7A, s2;
	p2 =	seq.s32 @!p0 s5, $0x0  }
0x1f: {  	s9 =	smul.u32 $0xF7A, s1;
	s8 =	simm.s32 @!p0 $0x1BF5;
	p2 =	por !p2, p0  }
0x20: {  	[sflag:s8] =	ssyncset.s32 @!p0 $0xFFFFF086;
	s6 =	sadd.s32 @!p0 s3, s7;
	s7 =	simm.s32 @!p0 $0x108  }
0x21: {  	s3 =	sadd.s32 s3, s9;
	s6 =	sadd.s32 @!p0 $0x88, s6;
	s7 =	simm.s32 @p2 $0x1082  }
0x22: {  	[simem:s7], [sflag:s8] =	dma.local @!p0 [hbm:s6], $0xF7A  }
0x23: {  	s9 =	sor.u32 $0xD0000000, s2;
	s6 =	simm.s32 $0x108;
	_ =	swait.ge @!p0 [sflag:s8], $0x0  }
0x24: {  	s3 =	sadd.s32 $0x88, s3;
	s6 =	simm.s32 @!p1 $0x1082;
	[sflag:s4] =	ssyncset.s32 $0xFFFFF086  }
0x25: {  	[simem:s6], [sflag:s4] =	dma.local [hbm:s3], $0xF7A  }
0x26: {  	[smem:$0x3F9F] =	sst s1;
	(tag) =	ssettag s2;
	_ =	strace s9  }
0x27: {  	s1 =	sld [smem:$0x3FAF]  }
0x28: {  	s2 =	sld [smem:$0x3FB0]  }
0x29: {  	s4 =	sld [smem:$0x3FB2]  }
0x2a: {  	p0 =	seq.s32 s5, $0x0;
	s5 =	sld [smem:$0x3FB3]  }
0x2b: {  	s6 =	sld [smem:$0x3FB4]  }
0x2c: {  	s7 =	sld [smem:$0x3FB5]  }
0x2d: {  	s3 =	simm.s32 $0x108;
	s8 =	sld [smem:$0x3FB6]  }
0x2e: {  	s3 =	simm.s32 @!p0 $0x1082;
	s9 =	sld [smem:$0x3FB7]  }
0x2f: {  	lr =	sadd.s32 s0, s3;
	s0 =	sld [smem:$0x3FAE]  }
0x30: {  	s3 =	sld [smem:$0x3FB1]  }
0x31: {  	[smem:$0x3FBA] =	sst s10  }
0x32: {  	s10 =	sld [smem:$0x3FB8];
	_ =	sdelay $0x3  }
0x33: {  	p0 =	seq.s32 s10, $0x1;
	s10 =	sld [smem:$0x3FBA];
	_ =	sdelay $0x3  }
0x34: {  	[smem:$0x3FBA] =	sst s10  }
0x35: {  	s10 =	sld [smem:$0x3FB9];
	_ =	sdelay $0x3  }
0x36: {  	p1 =	seq.s32 s10, $0x1;
	s10 =	sld [smem:$0x3FBA];
	_ =	sdelay $0x3  }
0x37: {  	[smem:$0x3FBA] =	sst s10  }
0x38: {  	s10 =	sld [smem:$0x3FBB]  }
0x39: {  	_ = 	snop;
	(pc) =	sbr.ind lr, $3  }
0x3a: {  	_ = 	snop  }
0x3b: {  	_ = 	snop  }
0x3c: {  	p2 =	seq.s32 s10, $0x1;
	s10 =	sld [smem:$0x3FBA]  }
0x3d: {  	_ =	shalt  }
0x3e: {  	_ =	shalt  }
0x3f: {  	_ =	shalt  }
0x40: {  	_ =	shalt  }
0x41: {  	_ =	shalt  }
0x42: {  	_ =	shalt  }
0x43: {  	_ =	shalt  }
0x44: {  	_ =	shalt  }
0x45: {  	_ =	shalt  }
0x46: {  	_ =	shalt  }
0x47: {  	_ =	shalt  }
0x48: {  	_ =	shalt  }
0x49: {  	_ =	shalt  }
0x4a: {  	_ =	shalt  }
0x4b: {  	_ =	shalt  }
0x4c: {  	_ =	shalt  }
0x4d: {  	_ =	shalt  }
0x4e: {  	_ =	shalt  }
0x4f: {  	_ =	shalt  }
0x50: {  	_ =	shalt  }
0x51: {  	_ =	shalt  }
0x52: {  	_ =	shalt  }
0x53: {  	_ =	shalt  }
0x54: {  	_ =	shalt  }
0x55: {  	_ =	shalt  }
0x56: {  	_ =	shalt  }
0x57: {  	_ =	shalt  }
0x58: {  	_ =	shalt  }
0x59: {  	_ =	shalt  }
0x5a: {  	_ =	shalt  }
0x5b: {  	_ =	shalt  }
0x5c: {  	_ =	shalt  }
0x5d: {  	_ =	shalt  }
0x5e: {  	_ =	shalt  }
0x5f: {  	_ =	shalt  }
0x60: {  	_ =	shalt  }
0x61: {  	_ =	shalt  }
0x62: {  	_ =	shalt  }
0x63: {  	_ =	shalt  }
0x64: {  	_ =	shalt  }
0x65: {  	_ =	shalt  }
0x66: {  	_ =	shalt  }
0x67: {  	_ =	shalt  }
0x68: {  	_ =	shalt  }
0x69: {  	_ =	shalt  }
0x6a: {  	_ =	shalt  }
0x6b: {  	_ =	shalt  }
0x6c: {  	_ =	shalt  }
0x6d: {  	_ =	shalt  }
0x6e: {  	_ =	shalt  }
0x6f: {  	_ =	shalt  }
0x70: {  	_ =	shalt  }
0x71: {  	_ =	shalt  }
0x72: {  	_ =	shalt  }
0x73: {  	_ =	shalt  }
0x74: {  	_ =	shalt  }
0x75: {  	_ =	shalt  }
0x76: {  	_ =	shalt  }
0x77: {  	_ =	shalt  }
0x78: {  	_ =	shalt  }
0x79: {  	_ =	shalt  }
0x7a: {  	_ =	shalt  }
0x7b: {  	_ =	shalt  }
0x7c: {  	_ =	shalt  }
0x7d: {  	_ =	shalt  }
0x7e: {  	_ =	shalt  }
0x7f: {  	_ =	shalt  }
0x80: {  	_ =	shalt  }
0x81: {  	_ =	shalt  }
0x82: {  	_ =	shalt  }
0x83: {  	_ =	shalt  }
0x84: {  	_ =	shalt  }
0x85: {  	_ =	shalt  }
0x86: {  	_ =	shalt  }
0x87: {  	_ =	shalt  }
.Lfunc_end0:
.L_simem_size_0:
called_computation.2_lowered:
.L_overlay_start_0:
0x88: {  	s2 =	sld [smem:$0x3FD9]  }
0x89: {  	s3 =	sld [smem:$0x3FFE];
	_ =	sdelay $0x1  }
0x8a: {  	s1 =	srdreg.scid  }
0x8b: {  	s0 =	sand.u32 $0x1, s1  }
0x8c: {  	s17 =	sshll.u32 s0, $0xA;
	s2 =	sadd.s32 s3, s2  }
0x8d: {  	s2 =	sadd.s32 s2, s17  }
0x8e: {  	[smem:$0x3FC6] =	sst s2  }
0x8f: {  	_ = 	snop  }
0x90: {  	s2 =	sld [smem:$0x3FD0];
	(tm) =	ssettm $0x1  }
0x91: {  	s18 =	sld [smem:$0x3FFB];
	_ =	sdelay $0x3  }
0x92: {  	_ =	strace s18  }
0x93: {  	s3 =	sld [smem:$0x3FFC];
	_ =	sdelay $0x3  }
0x94: {  	_ =	strace s3  }
0x95: {  	s3 =	sld [smem:$0x3FFD];
	_ =	sdelay $0x3  }
0x96: {  	_ =	strace s3  }
0x97: {  	_ =	strace $0x8FFFFFFF  }
0x98: {  	s19 =	sld [smem:$0x3FDB];
	_ =	sdelay $0x1  }
0x99: {  	s4 =	simm.s32 $_scs_section_size  }
0x9a: {  	s5 =	simm.s32 $_size__tile_overlayer_lowered;
	s6 =	simm.s32 $_tile_overlayer_lowered  }
0x9b: {  	s22 =	simm.s32 $0x1BFF;
	s21 =	sshll.u32 s6, $0x1;
	s3 =	sadd.s32 s4, s19  }
0x9c: {  	s7 =	simm.s32 $0x0;
	s20 =	sshll.u32 s5, $0x1;
	s5 =	sadd.s32 s21, s3  }
0x9d: {  	[timem:s7], [sflag:s22] =	dma.local [hbm:s5], s20  }
0x9e: {  	_ =	swait.ge [sflag:s22], s20  }
0x9f: {  	s4 =	ssub.s32 $0x0, s20;
	[sflag:s22] =	ssyncset.done $0x0  }
0xa0: {  	[sflag:s22] =	ssyncadd.s32 s4;
	_ =	sdelay $0x1  }
0xa1: {  	s23 =	simm.s32 $0x1B8B  }
0xa2: {  	_ =	swait.ge [sflag:s23], $0x1  }
0xa3: {  	[sflag:s23] =	ssyncset.done $0x0  }
0xa4: {  	s25 =	simm.s32 $0x1B8E;
	s24 =	sld [smem:$0x3FFE];
	[sflag:s23] =	ssyncadd.s32 $0xFFFFFFFF  }
0xa5: {  	s26 =	simm.s32 $execute0_lowered;
	[smem:$0x3FD2] =	sst s25  }
0xa6: {  	s5 =	sshll.u32 s26, $0x1;
	_ =	strace $0x8000004C;
	[dreg:$0x1] =	wrdreg $0xFFFFFFFF  }
0xa7: {  	s28 =	simm.s32 $_size_execute0_lowered;
	s3 =	sadd.s32 s3, s5;
	[dreg:$0x0] =	wrdreg $0x0  }
0xa8: {  	s5 =	sshll.u32 s28, $0x1;
	[dreg:$0x2] =	wrdreg s3  }
0xa9: {  	[dreg:$0x3] =	wrdreg s5  }
0xaa: {  	[dreg:$0x4] =	wrdreg $0xC0  }
0xab: {  	_ =	task [dreg:s7], $0x5FFFF  }
0xac: {  	[dreg:$0x1] =	wrdreg $0xFFFFFFFF  }
0xad: {  	[dreg:$0x0] =	wrdreg $0x60  }
0xae: {  	[dreg:$0x2] =	wrdreg s2  }
0xaf: {  	[dreg:$0x3] =	wrdreg s24  }
0xb0: {  	[dreg:$0x4] =	wrdreg $0x88000  }
0xb1: {  	[dreg:$0x5] =	wrdreg $0x9  }
0xb2: {  	_ =	task.clear_ibuf [dreg:s7], $0x6FFFF;
	_ =	strace $0x9000004C  }
0xb3: {  	s29 =	simm.s32 $0x9;
	_ =	strace $0x8000004E  }
0xb4: {  	_ =	swait.ge [sflag:s29], $0x1  }
0xb5: {  	[sflag:s29] =	ssyncadd.s32 $0xFFFFFFFF  }
0xb6: {  	_ =	strace $0x9000004E  }
0xb7: {  	_ =	sfence  }
0xb8: {  	s30 =	sld [smem:$0x0];
	_ =	sdelay $0x2  }
0xb9: {  	s31 =	sshll.u32 s1, $0xD;
	s1 =	sshrl.u32 s1, $0x2  }
0xba: {  	s3 =	sand.u32 $0x4000, s31;
	s1 =	sadd.s32 s1, s30  }
0xbb: {  	s0 =	sor.u32 s3, s0;
	s1 =	sshll.u32 s1, $0x11  }
0xbc: {  	s0 =	sor.u32 s1, s0  }
0xbd: {  	s0 =	sadd.s32 $0x8F2B, s0  }
0xbe: {  	[sflag:s0] =	ssyncadd.remote.s32 $0x1  }
0xbf: {  	_ =	sfence.sel $0xFFFF  }
0xc0: {  	[dreg:$0x0] =	wrdreg $0xFFFFFFFF;
	(pc) =	sbr.abs _section_cstart, $3  }
0xc1: {  	[dreg:$0x1] =	wrdreg $0xFFFFFFFF  }
0xc2: {  	_ =	task.clear_ibuf [dreg:s7], $0x2FFFF;
	_ =	strace $0x9FFFFFFF  }
0xc3: {  	(tm) =	ssettm $0x7FFFFFFF  }
tec
execute0_lowered:
.L_overlay_start_1:
0x0: {  	(tag) =	ssettag $0x1  }
0x1: {  	s1 =	rddreg [dreg:$0x0]  }
0x2: {  	s0 =	rddreg [dreg:$0x1]  }
0x3: {  	s2 =	rddreg [dreg:$0x2]  }
0x4: {  	s4 =	simm.s32 $0x0;
	s3 =	srdreg.scid;
	s16 =	stileid.u32  }
0x5: {  	s28 =	simm.s32 $0x80;
	s29 =	simm.s32 $0x800;
	s31 =	simm.s32 $0x4800  }
0x6: {  	s30 =	simm.s32 $0x3;
	[smem:$0x7FF] =	sst s4;
	s8 =	smul.u32 $0x280, s16  }
0x7: {  	s5 =	sadd.s32 $0x3DC00, s0;
	s3 =	sand.u32 $0x1, s3;
	s10 =	smul.u32 $0x14000, s16  }
0x8: {  	s7 =	sshll.u32 s16, $0x1;
	s11 =	sadd.s32 $0x65C00, s0;
	s12 =	smul.u32 $0x50000, s16  }
0x9: {  	s0 =	sadd.s32 $0x2A00, s0;
	s6 =	ssub.s32 $0x2, s3;
	s22 =	smul.u32 $0x140000, s3  }
0xa: {  	s7 =	sor.u32 s3, s7;
	s3 =	smul.u32 $0x5000, s3;
	s9 =	sshrl.u32 s6, $0x1  }
0xb: {  	s13 =	sshrl.u32 s10, $0x3;
	s14 =	sadd.s32 $0x80, s8;
	s15 =	sadd.s32 $0x100, s8  }
0xc: {  	s20 =	sadd.s32 $0x180, s8;
	s8 =	sadd.s32 $0x200, s8;
	s6 =	ssub.s32 s6, s9  }
0xd: {  	s9 =	smul.u32 $0xA00, s7;
	s13 =	sadd.s32 s5, s13;
	s26 =	sshll.u32 s14, $0x4  }
0xe: {  	s18 =	sshll.u32 s14, $0x7;
	s17 =	sshll.u32 s15, $0x4;
	s19 =	sshll.u32 s15, $0x7  }
0xf: {  	s21 =	sshll.u32 s20, $0x4;
	s23 =	sshll.u32 s8, $0x4;
	s8 =	sshll.u32 s8, $0x7  }
0x10: {  	s24 =	sadd.s32 s10, s22;
	[dreg:$0x4] =	wrdreg s13;
	s13 =	sadd.s32 s5, s26  }
0x11: {  	s14 =	sadd.s32 s5, s21;
	s25 =	sadd.s32 s22, s18;
	s26 =	sadd.s32 s22, s19  }
0x12: {  	s18 =	sadd.s32 s18, s2;
	s19 =	sadd.s32 s19, s2;
	[dreg:$0x5] =	wrdreg s13  }
0x13: {  	s13 =	sadd.s32 s5, s17;
	[dreg:$0x7] =	wrdreg s14;
	s5 =	sadd.s32 s5, s23  }
0x14: {  	s10 =	sshrl.u32 s25, $0x3;
	s17 =	sshrl.u32 s26, $0x3;
	s15 =	sadd.s32 s0, s9  }
0x15: {  	s25 =	sshrl.u32 s12, $0x2;
	s26 =	smul.u32 $0x5000, s7;
	[dreg:$0x6] =	wrdreg s13  }
0x16: {  	s13 =	sshll.u32 s20, $0x7;
	[dreg:$0x8] =	wrdreg s5;
	s5 =	sshrl.u32 s24, $0x3  }
0x17: {  	s20 =	sadd.s32 s11, s17;
	s24 =	smul.u32 $0xA000, s16;
	s9 =	sadd.s32 $0x40, s15  }
0x18: {  	s5 =	sadd.s32 s11, s5;
	[dreg:$0xb] =	wrdreg s20;
	s21 =	sadd.s32 s22, s13  }
0x19: {  	s22 =	sadd.s32 s22, s8;
	s20 =	sadd.s32 s13, s2;
	[dreg:$0x9] =	wrdreg s5  }
0x1a: {  	s5 =	sadd.s32 s11, s10;
	s23 =	sshrl.u32 s22, $0x3;
	s3 =	sadd.s32 s3, s24  }
0x1b: {  	s22 =	smax.u32 s6, $0x1;
	[dreg:$0xa] =	wrdreg s5;
	s5 =	sshrl.u32 s21, $0x3  }
0x1c: {  	s21 =	sadd.s32 s8, s2;
	s3 =	sor.u32 $0x600, s3;
	s5 =	sadd.s32 s11, s5  }
0x1d: {  	s3 =	sshrl.u32 s3, $0x3;
	[dreg:$0xc] =	wrdreg s5;
	s5 =	sadd.s32 s11, s23  }
0x1e: {  	s13 =	sadd.s32 s3, s0;
	[dreg:$0xd] =	wrdreg s5;
	s5 =	sadd.s32 s25, s2  }
0x1f: {  	_ =	strace $0x8000004D;
	[dreg:$0xf] =	wrdreg s5;
	s5 =	sshrl.u32 s26, $0x3  }
0x20: {  	s25 =	simm.s32 $0x4;
	[dreg:$0xe] =	wrdreg s9;
	s5 =	sadd.s32 s5, s0  }
0x21: {  	s26 =	simm.s32 $0x2;
	s0 =	simm.s32 $0x0;
	s23 =	sadd.s32 $0x80, s5  }
.LBB2_1:
0x22: {  	[tilespmem:s4], [sflag:$0x4] =	stream.linear.gather [hbm4b:s15+s4], $0x200, $0x38;
	[tilespmem:$0x1C800] =	vst v63  }
0x23: {  	_ =	swait.ge [sflag:s25], $0x200  }
0x24: {  	s10 =	simm.s32 $0x200;
	[sflag:s25] =	ssyncset.done $0x0  }
0x25: {  	s14 =	stileid.u32;
	s3 =	rddreg [dreg:$0xe];
	[sflag:s25] =	ssyncadd.s32 $0xFFFFFE00  }
0x26: {  	[tilespmem:s10], [sflag:$0x1] =	stream.linear.gather [hbm4b:s3+s4], $0x200, $0x38;
	[tilespmem:$0x1C800] =	vst v63  }
0x27: {  	s5 =	rddreg [dreg:$0xf];
	s3 =	sshll.u32 s14, $0x6  }
0x28: {  	s6 =	rddreg [dreg:$0x4];
	s5 =	sshrl.u32 s5, $0x3;
	s3 =	sor.u32 $0x1C02, s3  }
0x29: {  	[spmem:s5], [sflag:s3] =	dma.local [hbm:s6], $0x800  }
0x2a: {  	s6 =	sshrl.u32 s18, $0x3;
	s7 =	rddreg [dreg:$0x5]  }
0x2b: {  	[spmem:s6], [sflag:s3] =	dma.local [hbm:s7], $0x800  }
0x2c: {  	s7 =	sshrl.u32 s19, $0x3;
	s8 =	rddreg [dreg:$0x6]  }
0x2d: {  	[spmem:s7], [sflag:s3] =	dma.local [hbm:s8], $0x800  }
0x2e: {  	s8 =	sshrl.u32 s20, $0x3;
	s9 =	rddreg [dreg:$0x7]  }
0x2f: {  	[spmem:s8], [sflag:s3] =	dma.local [hbm:s9], $0x800  }
0x30: {  	s9 =	sshrl.u32 s21, $0x3;
	s11 =	rddreg [dreg:$0x8]  }
0x31: {  	[spmem:s9], [sflag:s3] =	dma.local [hbm:s11], $0x800  }
0x32: {  	_ =	swait.ge [sflag:s26], $0x800  }
0x33: {  	[sflag:s26] =	ssyncset.done $0x0  }
0x34: {  	[sflag:s26] =	ssyncadd.s32 $0xFFFFF800  }
0x35: {  	_ =	swait.ge [sflag:s26], $0x800  }
0x36: {  	[sflag:s26] =	ssyncset.done $0x0  }
0x37: {  	[sflag:s26] =	ssyncadd.s32 $0xFFFFF800  }
0x38: {  	_ =	swait.ge [sflag:s26], $0x800  }
0x39: {  	[sflag:s26] =	ssyncset.done $0x0  }
0x3a: {  	[sflag:s26] =	ssyncadd.s32 $0xFFFFF800  }
0x3b: {  	_ =	swait.ge [sflag:s26], $0x800  }
0x3c: {  	[sflag:s26] =	ssyncset.done $0x0  }
0x3d: {  	[sflag:s26] =	ssyncadd.s32 $0xFFFFF800  }
0x3e: {  	_ =	swait.ge [sflag:s26], $0x800  }
0x3f: {  	[sflag:s26] =	ssyncset.done $0x0  }
0x40: {  	[sflag:s26] =	ssyncadd.s32 $0xFFFFF800  }
0x41: {  	[bflag:$0x0] =	sbarrier.arrive $0xFFFF  }
0x42: {  	[tilespmem:s29], [sflag:$0x2] =	stream.indirect.gather [hbm4b:s1+s28], $0x80, s4, s28, $0xb8;
	[tilespmem:$0x1C800] =	vst v63  }
0x43: {  	s16 =	simm.s32 $0x100  }
0x44: {  	[tilespmem:s31], [sflag:$0x2] =	stream.indirect.gather [hbm4b:s1+s28], $0x80, s16, s28, $0xb8;
	[tilespmem:$0x1C800] =	vst v63  }
0x45: {  	s17 =	simm.s32 $0x400  }
0x46: {  	[tilespmem:s17], [sflag:$0x1] =	stream.linear.gather [hbm4b:s23+s4], $0x200, $0x38;
	[tilespmem:$0x1C800] =	vst v63  }
0x47: {  	_ =	swait.ge [sflag:s26], $0x4000  }
0x48: {  	[sflag:s26] =	ssyncset.done $0x0  }
0x49: {  	[sflag:s26] =	ssyncadd.s32 $0xFFFFC000  }
0x4a: {  	[spmem:s2] =	stream.indirect.scatter.add.f32 [tilespmem:s29], [sflag:$0x3], $0x80, s28, s28, $0xb8;
	[tilespmem:$0x1C800] =	vst v63  }
0x4b: {  	_ =	swait.ge [sflag:s26], $0x4000  }
0x4c: {  	[sflag:s26] =	ssyncset.done $0x0  }
0x4d: {  	s24 =	simm.s32 $0x180;
	s11 =	simm.s32 $0x1;
	[sflag:s26] =	ssyncadd.s32 $0xFFFFC000  }
0x4e: {  	[spmem:s2] =	stream.indirect.scatter.add.f32 [tilespmem:s31], [sflag:$0x3], $0x80, s24, s28, $0xb8;
	[tilespmem:$0x1C800] =	vst v63  }
0x4f: {  	_ =	swait.ge [sflag:s11], $0x200  }
0x50: {  	[sflag:s11] =	ssyncset.done $0x0  }
0x51: {  	s12 =	simm.s32 $0x1800;
	s24 =	smov.u32 s13;
	[sflag:s11] =	ssyncadd.s32 $0xFFFFFE00  }
.LBB2_2:
0x52: {  	_ =	swait.ge [sflag:s30], $0x4000  }
0x53: {  	[sflag:s30] =	ssyncset.done $0x0  }
0x54: {  	s14 =	sand.u32 $0x600, s10;
	[sflag:s30] =	ssyncadd.s32 $0xFFFFC000  }
0x55: {  	[tilespmem:s29], [sflag:$0x2] =	stream.indirect.gather [hbm4b:s1+s28], $0x80, s14, s28, $0xb8;
	[tilespmem:$0x1C800] =	vst v63  }
0x56: {  	_ =	swait.ge [sflag:s30], $0x4000  }
0x57: {  	[sflag:s30] =	ssyncset.done $0x0  }
0x58: {  	p0 =	sgt.u32 s11, $0x25;
	s16 =	sor.u32 $0x100, s14;
	[sflag:s30] =	ssyncadd.s32 $0xFFFFC000  }
0x59: {  	[tilespmem:s31], [sflag:$0x2] =	stream.indirect.gather [hbm4b:s1+s28], $0x80, s16, s28, $0xb8;
	[tilespmem:$0x1C800] =	vst v63  }
0x5a: {  	s16 =	sand.u32 @!p0 $0x1800, s12  }
0x5b: {  	s17 =	simm.s32 @!p0 $0x0;
	s16 =	sshrl.u32 @!p0 s16, $0x2  }
0x5c: {  	[tilespmem:s16], [sflag:$0x1] =	stream.linear.gather @!p0 [hbm4b:s24+s17], $0x200, $0x38;
	[tilespmem:$0x1C800] =	vst v63  }
0x5d: {  	_ =	swait.ge [sflag:s26], $0x4000  }
0x5e: {  	[sflag:s26] =	ssyncset.done $0x0  }
0x5f: {  	s17 =	sadd.s32 $0x80, s14;
	p0 =	seq.s32 s12, $0x14800;
	[sflag:s26] =	ssyncadd.s32 $0xFFFFC000  }
0x60: {  	[spmem:s2] =	stream.indirect.scatter.add.f32 [tilespmem:s29], [sflag:$0x3], $0x80, s17, s28, $0xb8;
	[tilespmem:$0x1C800] =	vst v63  }
0x61: {  	s12 =	sadd.s32 @!p0 $0x800, s12;
	_ =	swait.ge [sflag:s26], $0x4000  }
0x62: {  	p1 =	sne.s32 @!p0 s12, $0x15000;
	[sflag:s26] =	ssyncset.done $0x0  }
0x63: {  	s14 =	sadd.s32 $0x180, s14;
	p1 =	por p0, !p1;
	[sflag:s26] =	ssyncadd.s32 $0xFFFFC000  }
0x64: {  	[spmem:s2] =	stream.indirect.scatter.add.f32 [tilespmem:s31], [sflag:$0x3], $0x80, s14, s28, $0xb8;
	[tilespmem:$0x1C800] =	vst v63  }
.Ltmp0:
0x65: {  	_ = 	snop;
	(pc) =	sbr.rel @!p1 .LBB2_2-.Ltmp0, $4  }
0x66: {  	s14 =	simm.s32 @!p0 $0x1  }
0x67: {  	_ =	swait.ge @!p0 [sflag:s14], $0x200  }
0x68: {  	s11 =	sadd.s32 @!p0 $0x1, s11;
	[sflag:s14] =	ssyncset.done @!p0 $0x0  }
0x69: {  	s24 =	sadd.s32 @!p0 $0x40, s24;
	s10 =	sadd.s32 @!p0 $0x200, s10;
	[sflag:s14] =	ssyncadd.s32 @!p0 $0xFFFFFE00  }
0x6a: {  	_ =	swait.ge [sflag:s30], $0x4000  }
0x6b: {  	[sflag:s30] =	ssyncset.done $0x0  }
0x6c: {  	[sflag:s30] =	ssyncadd.s32 $0xFFFFC000  }
0x6d: {  	_ =	swait.ge [sflag:s30], $0x4000  }
0x6e: {  	[sflag:s30] =	ssyncset.done $0x0  }
0x6f: {  	[sflag:s30] =	ssyncadd.s32 $0xFFFFC000  }
0x70: {  	[bflag:$0x0] =	sbarrier.arrive $0xFFFF  }
0x71: {  	s10 =	rddreg [dreg:$0x9]  }
0x72: {  	[hbm:s10], [sflag:s3] =	dma.local [spmem:s5], $0x800  }
0x73: {  	s5 =	rddreg [dreg:$0xa]  }
0x74: {  	[hbm:s5], [sflag:s3] =	dma.local [spmem:s6], $0x800  }
0x75: {  	s5 =	rddreg [dreg:$0xb]  }
0x76: {  	[hbm:s5], [sflag:s3] =	dma.local [spmem:s7], $0x800  }
0x77: {  	s5 =	rddreg [dreg:$0xc]  }
0x78: {  	[hbm:s5], [sflag:s3] =	dma.local [spmem:s8], $0x800  }
0x79: {  	s5 =	rddreg [dreg:$0xd]  }
0x7a: {  	[hbm:s5], [sflag:s3] =	dma.local [spmem:s9], $0x800  }
0x7b: {  	_ =	swait.ge [sflag:s26], $0x800  }
0x7c: {  	[sflag:s26] =	ssyncset.done $0x0  }
0x7d: {  	[sflag:s26] =	ssyncadd.s32 $0xFFFFF800  }
0x7e: {  	_ =	swait.ge [sflag:s26], $0x800  }
0x7f: {  	[sflag:s26] =	ssyncset.done $0x0  }
0x80: {  	[sflag:s26] =	ssyncadd.s32 $0xFFFFF800  }
0x81: {  	_ =	swait.ge [sflag:s26], $0x800  }
0x82: {  	[sflag:s26] =	ssyncset.done $0x0  }
0x83: {  	s0 =	sadd.s32 $0x1, s0;
	[sflag:s26] =	ssyncadd.s32 $0xFFFFF800  }
0x84: {  	p0 =	sne.s32 s0, s22;
	_ =	swait.ge [sflag:s26], $0x800  }
.Ltmp1:
0x85: {  	[sflag:s26] =	ssyncset.done $0x0;
	(pc) =	sbr.rel @p0 .LBB2_1-.Ltmp1, $4  }
0x86: {  	[sflag:s26] =	ssyncadd.s32 $0xFFFFF800  }
0x87: {  	_ =	swait.ge [sflag:s26], $0x800  }
0x88: {  	[sflag:s26] =	ssyncset.done $0x0  }
0x89: {  	[sflag:s26] =	ssyncadd.s32 $0xFFFFF800  }
0x8a: {  	_ =	sfence.sel $0x180000  }
0x8b: {  	[bflag:$0x0] =	sbarrier.arrive $0xFFFF  }
0x8c: {  	_ =	strace $0x9000004D  }
0x8d: {  	s0 =	stileid.u32;
	[bflag:$0x2] =	sbarrier.arrive $0xFFFF  }
0x8e: {  	p0 =	sne.s32 s0, $0x0;
	s0 =	rddreg [dreg:$0x3]  }
0x8f: {  	s0 =	sadd.s32 @!p0 $0x100000, s0  }
0x90: {  	[sflag:s0] =	ssyncadd.tile.s32 @!p0 $0x1;
	_ =	shalt  }
.Lfunc_end2:
_tile_overlayer_lowered:
.L_overlay_start_2:
0x91: {  	(tag) =	ssettag $0x2  }
0x92: {  	s0 =	rddreg [dreg:$0x0];
	s2 =	stileid.u32  }
0x93: {  	s1 =	rddreg [dreg:$0x1];
	p0 =	sne.s32 s2, $0x0  }
0x94: {  	s3 =	rddreg [dreg:$0x2];
	[bflag:$0x3] =	sbarrier.arrive $0xFFFF;
	s2 =	simm.s32 @!p0 $0x1C04  }
0x95: {  	[timem:s3], [sflag:s2] =	dma.local @!p0 [hbm:s0], s1  }
0x96: {  	s0 =	simm.s32 @!p0 $0x4  }
0x97: {  	_ =	swait.ge @!p0 [sflag:s0], s1  }
0x98: {  	s1 =	ssub.s32 @!p0 $0x0, s1;
	[sflag:s0] =	ssyncset.done @!p0 $0x0  }
0x99: {  	[sflag:s0] =	ssyncadd.s32 @!p0 s1  }
0x9a: {  	[bflag:$0x3] =	sbarrier.arrive $0xFFFF  }
0x9b: {  	_ =	shalt  }

// kernel: kernel.8.cloned.1.call-start
scs
__scs_entry_jumppad:
0x0: {  	(pc) =	sbr.rel $0x88, $3  }
0x1: {  	(tag) =	ssettag $0x0;
	lr =	simm.s32 $0x1  }
0x2: {  	[smem:$0x3F9F] =	sst lr;
	_ =	strace $0xD0000000  }
0x3: {  	_ = 	snop  }
0x4: {  	_ = 	snop  }
0x5: {  	_ = 	snop  }
0x6: {  	_ = 	snop  }
0x7: {  	_ = 	snop  }
__scs_overlays_trampoline_lowered:
0x8: {  	[smem:$0x3FAE] =	sst s0  }
0x9: {  	[smem:$0x3FAF] =	sst s1  }
0xa: {  	[smem:$0x3FB0] =	sst s2  }
0xb: {  	[smem:$0x3FB1] =	sst s3  }
0xc: {  	[smem:$0x3FB2] =	sst s4  }
0xd: {  	[smem:$0x3FB3] =	sst s5  }
0xe: {  	[smem:$0x3FB4] =	sst s6  }
0xf: {  	[smem:$0x3FB5] =	sst s7  }
0x10: {  	[smem:$0x3FB6] =	sst s8  }
0x11: {  	[smem:$0x3FB7] =	sst s9;
	s0 =	simm.s32 @!p0 $0x0  }
0x12: {  	s1 =	sld [smem:$0x3F9D];
	s0 =	simm.s32 @p0 $0x1  }
0x13: {  	[smem:$0x3FB8] =	sst s0;
	s0 =	simm.s32 @!p1 $0x0  }
0x14: {  	s2 =	sld [smem:$0x3F9C];
	s0 =	simm.s32 @p1 $0x1  }
0x15: {  	[smem:$0x3FB9] =	sst s0;
	s0 =	simm.s32 @!p2 $0x0  }
0x16: {  	s3 =	sld [smem:$0x3FDB];
	s0 =	simm.s32 @p2 $0x1  }
0x17: {  	s4 =	simm.s32 $0x1BF5;
	[smem:$0x3FBB] =	sst s0  }
0x18: {  	s0 =	sld [smem:$0x3F9E];
	_ =	swait.ge [sflag:s4], $0x0  }
0x19: {  	s7 =	sld [smem:$0x3F9F]  }
0x1a: {  	s8 =	sadd.s32 $0xFFFFE003, lr  }
0x1b: {  	s9 =	sadd.s32 $0xFFFFFEF7, lr;
	s5 =	simm.s32 $0xFFFFFFFF;
	p2 =	slt.u32 s8, $0xFFFFF086  }
0x1c: {  	p1 =	slt.u32 s9, $0xF7A;
	s5 =	simm.s32 @!p2 $0x0  }
0x1d: {  	s5 =	simm.s32 @p1 $0x1;
	p0 =	seq.s32 s7, s2  }
0x1e: {  	s7 =	smul.u32 @!p0 $0xF7A, s2;
	p2 =	seq.s32 @!p0 s5, $0x0  }
0x1f: {  	s9 =	smul.u32 $0xF7A, s1;
	s8 =	simm.s32 @!p0 $0x1BF5;
	p2 =	por !p2, p0  }
0x20: {  	[sflag:s8] =	ssyncset.s32 @!p0 $0xFFFFF086;
	s6 =	sadd.s32 @!p0 s3, s7;
	s7 =	simm.s32 @!p0 $0x108  }
0x21: {  	s3 =	sadd.s32 s3, s9;
	s6 =	sadd.s32 @!p0 $0x88, s6;
	s7 =	simm.s32 @p2 $0x1082  }
0x22: {  	[simem:s7], [sflag:s8] =	dma.local @!p0 [hbm:s6], $0xF7A  }
0x23: {  	s9 =	sor.u32 $0xD0000000, s2;
	s6 =	simm.s32 $0x108;
	_ =	swait.ge @!p0 [sflag:s8], $0x0  }
0x24: {  	s3 =	sadd.s32 $0x88, s3;
	s6 =	simm.s32 @!p1 $0x1082;
	[sflag:s4] =	ssyncset.s32 $0xFFFFF086  }
0x25: {  	[simem:s6], [sflag:s4] =	dma.local [hbm:s3], $0xF7A  }
0x26: {  	[smem:$0x3F9F] =	sst s1;
	(tag) =	ssettag s2;
	_ =	strace s9  }
0x27: {  	s1 =	sld [smem:$0x3FAF]  }
0x28: {  	s2 =	sld [smem:$0x3FB0]  }
0x29: {  	s4 =	sld [smem:$0x3FB2]  }
0x2a: {  	p0 =	seq.s32 s5, $0x0;
	s5 =	sld [smem:$0x3FB3]  }
0x2b: {  	s6 =	sld [smem:$0x3FB4]  }
0x2c: {  	s7 =	sld [smem:$0x3FB5]  }
0x2d: {  	s3 =	simm.s32 $0x108;
	s8 =	sld [smem:$0x3FB6]  }
0x2e: {  	s3 =	simm.s32 @!p0 $0x1082;
	s9 =	sld [smem:$0x3FB7]  }
0x2f: {  	lr =	sadd.s32 s0, s3;
	s0 =	sld [smem:$0x3FAE]  }
0x30: {  	s3 =	sld [smem:$0x3FB1]  }
0x31: {  	[smem:$0x3FBA] =	sst s10  }
0x32: {  	s10 =	sld [smem:$0x3FB8];
	_ =	sdelay $0x3  }
0x33: {  	p0 =	seq.s32 s10, $0x1;
	s10 =	sld [smem:$0x3FBA];
	_ =	sdelay $0x3  }
0x34: {  	[smem:$0x3FBA] =	sst s10  }
0x35: {  	s10 =	sld [smem:$0x3FB9];
	_ =	sdelay $0x3  }
0x36: {  	p1 =	seq.s32 s10, $0x1;
	s10 =	sld [smem:$0x3FBA];
	_ =	sdelay $0x3  }
0x37: {  	[smem:$0x3FBA] =	sst s10  }
0x38: {  	s10 =	sld [smem:$0x3FBB]  }
0x39: {  	_ = 	snop;
	(pc) =	sbr.ind lr, $3  }
0x3a: {  	_ = 	snop  }
0x3b: {  	_ = 	snop  }
0x3c: {  	p2 =	seq.s32 s10, $0x1;
	s10 =	sld [smem:$0x3FBA]  }
0x3d: {  	_ =	shalt  }
0x3e: {  	_ =	shalt  }
0x3f: {  	_ =	shalt  }
0x40: {  	_ =	shalt  }
0x41: {  	_ =	shalt  }
0x42: {  	_ =	shalt  }
0x43: {  	_ =	shalt  }
0x44: {  	_ =	shalt  }
0x45: {  	_ =	shalt  }
0x46: {  	_ =	shalt  }
0x47: {  	_ =	shalt  }
0x48: {  	_ =	shalt  }
0x49: {  	_ =	shalt  }
0x4a: {  	_ =	shalt  }
0x4b: {  	_ =	shalt  }
0x4c: {  	_ =	shalt  }
0x4d: {  	_ =	shalt  }
0x4e: {  	_ =	shalt  }
0x4f: {  	_ =	shalt  }
0x50: {  	_ =	shalt  }
0x51: {  	_ =	shalt  }
0x52: {  	_ =	shalt  }
0x53: {  	_ =	shalt  }
0x54: {  	_ =	shalt  }
0x55: {  	_ =	shalt  }
0x56: {  	_ =	shalt  }
0x57: {  	_ =	shalt  }
0x58: {  	_ =	shalt  }
0x59: {  	_ =	shalt  }
0x5a: {  	_ =	shalt  }
0x5b: {  	_ =	shalt  }
0x5c: {  	_ =	shalt  }
0x5d: {  	_ =	shalt  }
0x5e: {  	_ =	shalt  }
0x5f: {  	_ =	shalt  }
0x60: {  	_ =	shalt  }
0x61: {  	_ =	shalt  }
0x62: {  	_ =	shalt  }
0x63: {  	_ =	shalt  }
0x64: {  	_ =	shalt  }
0x65: {  	_ =	shalt  }
0x66: {  	_ =	shalt  }
0x67: {  	_ =	shalt  }
0x68: {  	_ =	shalt  }
0x69: {  	_ =	shalt  }
0x6a: {  	_ =	shalt  }
0x6b: {  	_ =	shalt  }
0x6c: {  	_ =	shalt  }
0x6d: {  	_ =	shalt  }
0x6e: {  	_ =	shalt  }
0x6f: {  	_ =	shalt  }
0x70: {  	_ =	shalt  }
0x71: {  	_ =	shalt  }
0x72: {  	_ =	shalt  }
0x73: {  	_ =	shalt  }
0x74: {  	_ =	shalt  }
0x75: {  	_ =	shalt  }
0x76: {  	_ =	shalt  }
0x77: {  	_ =	shalt  }
0x78: {  	_ =	shalt  }
0x79: {  	_ =	shalt  }
0x7a: {  	_ =	shalt  }
0x7b: {  	_ =	shalt  }
0x7c: {  	_ =	shalt  }
0x7d: {  	_ =	shalt  }
0x7e: {  	_ =	shalt  }
0x7f: {  	_ =	shalt  }
0x80: {  	_ =	shalt  }
0x81: {  	_ =	shalt  }
0x82: {  	_ =	shalt  }
0x83: {  	_ =	shalt  }
0x84: {  	_ =	shalt  }
0x85: {  	_ =	shalt  }
0x86: {  	_ =	shalt  }
0x87: {  	_ =	shalt  }
.Lfunc_end0:
.L_simem_size_0:
called_computation_lowered:
.L_overlay_start_0:
0x88: {  	s2 =	sld [smem:$0x3FD9]  }
0x89: {  	s3 =	sld [smem:$0x3FFE];
	_ =	sdelay $0x1  }
0x8a: {  	s1 =	srdreg.scid  }
0x8b: {  	s0 =	sand.u32 $0x1, s1  }
0x8c: {  	s17 =	sshll.u32 s0, $0xA;
	s2 =	sadd.s32 s3, s2  }
0x8d: {  	s2 =	sadd.s32 s2, s17  }
0x8e: {  	[smem:$0x3FC6] =	sst s2  }
0x8f: {  	_ = 	snop  }
0x90: {  	s2 =	sld [smem:$0x3FD0];
	(tm) =	ssettm $0x1  }
0x91: {  	s18 =	sld [smem:$0x3FFB];
	_ =	sdelay $0x3  }
0x92: {  	_ =	strace s18  }
0x93: {  	s3 =	sld [smem:$0x3FFC];
	_ =	sdelay $0x3  }
0x94: {  	_ =	strace s3  }
0x95: {  	s3 =	sld [smem:$0x3FFD];
	_ =	sdelay $0x3  }
0x96: {  	_ =	strace s3  }
0x97: {  	_ =	strace $0x8FFFFFFF  }
0x98: {  	s19 =	sld [smem:$0x3FDB];
	_ =	sdelay $0x1  }
0x99: {  	s4 =	simm.s32 $_scs_section_size  }
0x9a: {  	s5 =	simm.s32 $_size__tile_overlayer_lowered;
	s6 =	simm.s32 $_tile_overlayer_lowered  }
0x9b: {  	s22 =	simm.s32 $0x1BFF;
	s21 =	sshll.u32 s6, $0x1;
	s3 =	sadd.s32 s4, s19  }
0x9c: {  	s7 =	simm.s32 $0x0;
	s20 =	sshll.u32 s5, $0x1;
	s5 =	sadd.s32 s21, s3  }
0x9d: {  	[timem:s7], [sflag:s22] =	dma.local [hbm:s5], s20  }
0x9e: {  	_ =	swait.ge [sflag:s22], s20  }
0x9f: {  	s4 =	ssub.s32 $0x0, s20;
	[sflag:s22] =	ssyncset.done $0x0  }
0xa0: {  	[sflag:s22] =	ssyncadd.s32 s4;
	_ =	sdelay $0x1  }
0xa1: {  	s23 =	simm.s32 $0x1B8B  }
0xa2: {  	_ =	swait.ge [sflag:s23], $0x1  }
0xa3: {  	[sflag:s23] =	ssyncset.done $0x0  }
0xa4: {  	s25 =	simm.s32 $0x1B8E;
	s24 =	sld [smem:$0x3FFE];
	[sflag:s23] =	ssyncadd.s32 $0xFFFFFFFF  }
0xa5: {  	s26 =	simm.s32 $execute0_lowered;
	[smem:$0x3FD2] =	sst s25  }
0xa6: {  	s5 =	sshll.u32 s26, $0x1;
	_ =	strace $0x80000046;
	[dreg:$0x1] =	wrdreg $0xFFFFFFFF  }
0xa7: {  	s28 =	simm.s32 $_size_execute0_lowered;
	s3 =	sadd.s32 s3, s5;
	[dreg:$0x0] =	wrdreg $0x0  }
0xa8: {  	s5 =	sshll.u32 s28, $0x1;
	[dreg:$0x2] =	wrdreg s3  }
0xa9: {  	[dreg:$0x3] =	wrdreg s5  }
0xaa: {  	[dreg:$0x4] =	wrdreg $0xC0  }
0xab: {  	_ =	task [dreg:s7], $0x5FFFF  }
0xac: {  	[dreg:$0x1] =	wrdreg $0xFFFFFFFF  }
0xad: {  	[dreg:$0x0] =	wrdreg $0x60  }
0xae: {  	[dreg:$0x2] =	wrdreg s2  }
0xaf: {  	[dreg:$0x3] =	wrdreg s24  }
0xb0: {  	[dreg:$0x4] =	wrdreg $0x50800  }
0xb1: {  	[dreg:$0x5] =	wrdreg $0x9  }
0xb2: {  	_ =	task.clear_ibuf [dreg:s7], $0x6FFFF;
	_ =	strace $0x90000046  }
0xb3: {  	s29 =	simm.s32 $0x9;
	_ =	strace $0x80000048  }
0xb4: {  	_ =	swait.ge [sflag:s29], $0x1  }
0xb5: {  	[sflag:s29] =	ssyncadd.s32 $0xFFFFFFFF  }
0xb6: {  	_ =	strace $0x90000048  }
0xb7: {  	_ =	sfence  }
0xb8: {  	s30 =	sld [smem:$0x0];
	_ =	sdelay $0x2  }
0xb9: {  	s31 =	sshll.u32 s1, $0xD;
	s1 =	sshrl.u32 s1, $0x2  }
0xba: {  	s3 =	sand.u32 $0x4000, s31;
	s1 =	sadd.s32 s1, s30  }
0xbb: {  	s0 =	sor.u32 s3, s0;
	s1 =	sshll.u32 s1, $0x11  }
0xbc: {  	s0 =	sor.u32 s1, s0  }
0xbd: {  	s0 =	sadd.s32 $0x8F2B, s0  }
0xbe: {  	[sflag:s0] =	ssyncadd.remote.s32 $0x1  }
0xbf: {  	_ =	sfence.sel $0xFFFF  }
0xc0: {  	[dreg:$0x0] =	wrdreg $0xFFFFFFFF;
	(pc) =	sbr.abs _section_cstart, $3  }
0xc1: {  	[dreg:$0x1] =	wrdreg $0xFFFFFFFF  }
0xc2: {  	_ =	task.clear_ibuf [dreg:s7], $0x2FFFF;
	_ =	strace $0x9FFFFFFF  }
0xc3: {  	(tm) =	ssettm $0x7FFFFFFF  }
tec
execute0_lowered:
.L_overlay_start_1:
0x0: {  	(tag) =	ssettag $0x1  }
0x1: {  	s5 =	rddreg [dreg:$0x0]  }
0x2: {  	s6 =	rddreg [dreg:$0x1]  }
0x3: {  	s1 =	rddreg [dreg:$0x2]  }
0x4: {  	s0 =	rddreg [dreg:$0x3]  }
0x5: {  	s3 =	srdreg.scid;
	s8 =	stileid.u32  }
0x6: {  	s2 =	simm.s32 $0x0;
	s12 =	simm.s32 $0x50;
	s13 =	simm.s32 $0x0  }
0x7: {  	s3 =	sand.u32 $0x1, s3;
	s4 =	sshll.u32 s8, $0x1;
	[smem:$0x7FF] =	sst s2  }
0x8: {  	p0 =	sne.s32 s8, $0x0;
	s8 =	simm.s32 $0x2880;
	s7 =	smul.u32 $0x500, s3  }
0x9: {  	s4 =	sor.u32 s3, s4;
	_ =	strace $0x80000047;
	s9 =	ssub.s32 $0x2, s3  }
0xa: {  	s3 =	sadd.s32 $0x1A00, s6;
	s10 =	smul.u32 $0x500, s4;
	s11 =	sshrl.u32 s9, $0x1  }
0xb: {  	s4 =	sadd.s32 $0x1800, s6;
	s6 =	sadd.s32 s7, s6;
	s31 =	ssub.s32 s9, s11  }
0xc: {  	s9 =	simm.s32 $0x1;
	s11 =	sshrl.u32 @!p0 s1, $0x3;
	s5 =	sadd.s32 s5, s10  }
0xd: {  	v0 =	vimm.f32 $1.000000000e+00;
	s6 =	sadd.s32 $0x2000, s6;
	s7 =	smax.u32 s31, $0x1;
	s10 =	simm.s32 $0x2800  }
.LBB2_1:
0xe: {  	[tilespmem:s8], [sflag:$0x1] =	stream.linear.gather [hbm4b:s3+s2], $0x2800, $0x38;
	[tilespmem:$0x5300] =	vst v63  }
0xf: {  	_ =	swait.ge [sflag:s9], $0x2800  }
0x10: {  	[sflag:s9] =	ssyncset.done $0x0  }
0x11: {  	[sflag:s9] =	ssyncadd.s32 $0xFFFFD800  }
0x12: {  	[tilespmem:s10], [sflag:$0x1] =	stream.linear.gather [hbm4b:s4+s2], $0x80, $0x38;
	[tilespmem:$0x5300] =	vst v63  }
0x13: {  	_ =	swait.ge [sflag:s9], $0x80  }
0x14: {  	[sflag:s9] =	ssyncset.done $0x0  }
0x15: {  	[sflag:s9] =	ssyncadd.s32 $0xFFFFFF80  }
0x16: {  	[tilespmem:s2], [sflag:$0x1] =	stream.linear.gather [hbm4b:s5+s2], $0x2800, $0x38;
	[tilespmem:$0x5300] =	vst v63  }
0x17: {  	_ =	swait.ge [sflag:s9], $0x2800  }
0x18: {  	[sflag:s9] =	ssyncset.done $0x0  }
0x19: {  	s14 =	simm.s32 @!p0 $0x1C01;
	[sflag:s9] =	ssyncadd.s32 $0xFFFFD800  }
0x1a: {  	[spmem:s11], [sflag:s14] =	dma.local @!p0 [hbm:s3], $0x500  }
0x1b: {  	s14 =	simm.s32 @!p0 $0x1  }
0x1c: {  	_ =	swait.ge @!p0 [sflag:s14], $0x500  }
0x1d: {  	[sflag:s14] =	ssyncset.done @!p0 $0x0  }
0x1e: {  	[sflag:s14] =	ssyncadd.s32 @!p0 $0xFFFFFB00  }
0x1f: {  	s14 =	simm.s32 $0x0;
	[bflag:$0x0] =	sbarrier.arrive $0xFFFF  }
.LBB2_2:
0x20: {  	s15 =	sshra.s32 s14, $0x2  }
0x21: {  	v1 =	vld [tilespmem:s15+$0x0];
	_ =	sdelay $0x7  }
0x22: {  	[tilespmem:v1+s8+$0x0] =	vst.idx.add.f32.msk $0xffff, v0  }
0x23: {  	v1 =	vld [tilespmem:s15+$0x10];
	_ =	sdelay $0x7  }
0x24: {  	[tilespmem:v1+s8+$0x0] =	vst.idx.add.f32.msk $0xffff, v0  }
0x25: {  	v1 =	vld [tilespmem:s15+$0x20];
	_ =	sdelay $0x7  }
0x26: {  	[tilespmem:v1+s8+$0x0] =	vst.idx.add.f32.msk $0xffff, v0  }
0x27: {  	v1 =	vld [tilespmem:s15+$0x30];
	_ =	sdelay $0x7  }
0x28: {  	[tilespmem:v1+s8+$0x0] =	vst.idx.add.f32.msk $0xffff, v0  }
0x29: {  	v1 =	vld [tilespmem:s15+$0x40];
	_ =	sdelay $0x7  }
0x2a: {  	[tilespmem:v1+s8+$0x0] =	vst.idx.add.f32.msk $0xffff, v0  }
0x2b: {  	v1 =	vld [tilespmem:s15+$0x50];
	_ =	sdelay $0x7  }
0x2c: {  	[tilespmem:v1+s8+$0x0] =	vst.idx.add.f32.msk $0xffff, v0  }
0x2d: {  	v1 =	vld [tilespmem:s15+$0x60];
	_ =	sdelay $0x7  }
0x2e: {  	[tilespmem:v1+s8+$0x0] =	vst.idx.add.f32.msk $0xffff, v0  }
0x2f: {  	v1 =	vld [tilespmem:s15+$0x70];
	_ =	sdelay $0x2  }
0x30: {  	p1 =	sne.s32 s14, $0x9E00  }
.Ltmp0:
0x31: {  	_ = 	snop;
	(pc) =	sbr.rel @p1 .LBB2_2-.Ltmp0, $2  }
0x32: {  	_ =	sdelay $0x2  }
0x33: {  	s14 =	sadd.s32 $0x200, s14;
	[tilespmem:v1+s8+$0x0] =	vst.idx.add.f32.msk $0xffff, v0  }
0x34: {  	[spmem:s1] =	stream.indirect.scatter.add.f32 [tilespmem:s8], [sflag:$0x1], $0x80, s10, s12, $0xb8;
	[tilespmem:$0x5300] =	vst v63  }
0x35: {  	_ =	swait.ge [sflag:s9], $0x2800  }
0x36: {  	[sflag:s9] =	ssyncset.done $0x0  }
0x37: {  	s13 =	sadd.s32 $0x1, s13;
	[sflag:s9] =	ssyncadd.s32 $0xFFFFD800  }
0x38: {  	s14 =	simm.s32 @!p0 $0x1C01;
	p1 =	sne.s32 s13, s7;
	[bflag:$0x0] =	sbarrier.arrive $0xFFFF  }
0x39: {  	[hbm:s6], [sflag:s14] =	dma.local @!p0 [spmem:s11], $0x500  }
.Ltmp1:
0x3a: {  	_ = 	snop;
	(pc) =	sbr.rel @p1 .LBB2_1-.Ltmp1, $4  }
0x3b: {  	s14 =	simm.s32 @!p0 $0x1  }
0x3c: {  	_ =	swait.ge @!p0 [sflag:s14], $0x500  }
0x3d: {  	[sflag:s14] =	ssyncset.done @!p0 $0x0  }
0x3e: {  	[sflag:s14] =	ssyncadd.s32 @!p0 $0xFFFFFB00  }
0x3f: {  	_ =	sfence.sel $0x180000  }
0x40: {  	[bflag:$0x0] =	sbarrier.arrive $0xFFFF  }
0x41: {  	_ =	strace $0x90000047  }
0x42: {  	s0 =	sadd.s32 @!p0 $0x100000, s0;
	[bflag:$0x2] =	sbarrier.arrive $0xFFFF  }
0x43: {  	[sflag:s0] =	ssyncadd.tile.s32 @!p0 $0x1;
	_ =	shalt  }
.Lfunc_end2:
_tile_overlayer_lowered:
.L_overlay_start_2:
0x44: {  	(tag) =	ssettag $0x2  }
0x45: {  	s0 =	rddreg [dreg:$0x0];
	s2 =	stileid.u32  }
0x46: {  	s1 =	rddreg [dreg:$0x1];
	p0 =	sne.s32 s2, $0x0  }
0x47: {  	s3 =	rddreg [dreg:$0x2];
	[bflag:$0x3] =	sbarrier.arrive $0xFFFF;
	s2 =	simm.s32 @!p0 $0x1C01  }
0x48: {  	[timem:s3], [sflag:s2] =	dma.local @!p0 [hbm:s0], s1  }
0x49: {  	s0 =	simm.s32 @!p0 $0x1  }
0x4a: {  	_ =	swait.ge @!p0 [sflag:s0], s1  }
0x4b: {  	s1 =	ssub.s32 @!p0 $0x0, s1;
	[sflag:s0] =	ssyncset.done @!p0 $0x0  }
0x4c: {  	[sflag:s0] =	ssyncadd.s32 @!p0 s1  }
0x4d: {  	[bflag:$0x3] =	sbarrier.arrive $0xFFFF  }
0x4e: {  	_ =	shalt  }

</sc_bundles>
